<compile_context>
chip_gen: v7x
topology: tpu7x:2x2x1
jax: 0.10.2.dev20260603
libtpu: 0.0.44.dev20260713+nightly
codegen_flags: <defaults>
</compile_context>

<pallas_src>
import jax
import jax.numpy as jnp
from jax.experimental import pallas as pl
from jax.experimental.pallas import tpu as pltpu

_PROPOSAL_COUNT = 2000
_PRE_NMS = 6000
_PAD = 6144
_ROWS = 48
_OROWS = 16
_NMS_THR = 0.7
_BATCH = 2


def _nms_kernel(ag, dg, sc, oy1, ox1, oy2, ox2, y1s, x1s, y2s, x2s, ars):
    y1a = ag[0]
    x1a = ag[1]
    y2a = ag[2]
    x2a = ag[3]
    dy = dg[0] * 0.1
    dx = dg[1] * 0.1
    dh = dg[2] * 0.2
    dw = dg[3] * 0.2
    h = y2a - y1a
    w = x2a - x1a
    cy = y1a + 0.5 * h + dy * h
    cx = x1a + 0.5 * w + dx * w
    h = h * jnp.exp(dh)
    w = w * jnp.exp(dw)
    y1u = cy - 0.5 * h
    x1u = cx - 0.5 * w
    y1 = jnp.clip(y1u, 0.0, 1.0)
    x1 = jnp.clip(x1u, 0.0, 1.0)
    y2 = jnp.clip(y1u + h, 0.0, 1.0)
    x2 = jnp.clip(x1u + w, 0.0, 1.0)
    areas = (y2 - y1) * (x2 - x1)
    y1s[...] = y1
    x1s[...] = x1
    y2s[...] = y2
    x2s[...] = x2
    ars[...] = areas

    rows = _BATCH * _ROWS
    r = jax.lax.broadcasted_iota(jnp.int32, (rows, 128), 0)
    c = jax.lax.broadcasted_iota(jnp.int32, (rows, 128), 1)
    idxg = r * 128 + c
    lane = jax.lax.broadcasted_iota(jnp.int32, (1, 128), 1)
    img0 = r < _ROWS

    zeros_out = jnp.zeros((_BATCH * _OROWS, 128), jnp.float32)
    oy1[...] = zeros_out
    ox1[...] = zeros_out
    oy2[...] = zeros_out
    ox2[...] = zeros_out

    neg_inf = jnp.float32(-jnp.inf)
    big = jnp.int32(0x7FFFFFFF)

    def pick(plane_ref, rowi, cmask):
        row = plane_ref[pl.ds(rowi, 1), :]
        return jnp.sum(jnp.where(cmask, row, 0.0))

    def body(k, sv):
        valid = sv > neg_inf
        masked = jnp.where(valid, idxg, big)
        idx0 = jnp.min(jnp.where(img0, masked, big))
        idx1 = jnp.min(jnp.where(img0, big, masked))
        ok0 = idx0 < big
        ok1 = idx1 < big
        row0 = jnp.where(ok0, idx0, 0) // 128
        row1 = jnp.where(ok1, idx1, _ROWS * 128) // 128
        cm0 = lane == (idx0 % 128)
        cm1 = lane == (idx1 % 128)
        by1 = jnp.where(img0, pick(y1s, row0, cm0), pick(y1s, row1, cm1))
        bx1 = jnp.where(img0, pick(x1s, row0, cm0), pick(x1s, row1, cm1))
        by2 = jnp.where(img0, pick(y2s, row0, cm0), pick(y2s, row1, cm1))
        bx2 = jnp.where(img0, pick(x2s, row0, cm0), pick(x2s, row1, cm1))
        bar = jnp.where(img0, pick(ars, row0, cm0), pick(ars, row1, cm1))
        yy1 = jnp.maximum(y1, by1)
        xx1 = jnp.maximum(x1, bx1)
        yy2 = jnp.minimum(y2, by2)
        xx2 = jnp.minimum(x2, bx2)
        inter = jnp.maximum(yy2 - yy1, 0.0) * jnp.maximum(xx2 - xx1, 0.0)
        iou = inter / (areas + bar - inter + 1e-8)
        supp = (iou > _NMS_THR) | (idxg == idx0) | (idxg == idx1)
        sv = jnp.where(supp, neg_inf, sv)
        orow = k // 128
        om0 = (lane == (k % 128)) & ok0
        om1 = (lane == (k % 128)) & ok1
        b1 = pl.ds(orow, 1)
        b2 = pl.ds(_OROWS + orow, 1)
        for oref, p0, p1 in (
            (oy1, pick(y1s, row0, cm0), pick(y1s, row1, cm1)),
            (ox1, pick(x1s, row0, cm0), pick(x1s, row1, cm1)),
            (oy2, pick(y2s, row0, cm0), pick(y2s, row1, cm1)),
            (ox2, pick(x2s, row0, cm0), pick(x2s, row1, cm1)),
        ):
            oref[b1, :] = jnp.where(om0, p0, oref[b1, :])
            oref[b2, :] = jnp.where(om1, p1, oref[b2, :])
        return sv

    jax.lax.fori_loop(0, _PROPOSAL_COUNT, body, sc[...])


def kernel(rpn_probs, rpn_bbox, anchors):
    b = rpn_probs.shape[0]
    scores = rpn_probs[:, :, 1]
    top_scores, ix = jax.lax.top_k(scores, _PRE_NMS)
    deltas_g = jnp.take_along_axis(rpn_bbox, ix[:, :, None], axis=1)
    anchors_g = jnp.take_along_axis(anchors, ix[:, :, None], axis=1)

    pad = _PAD - _PRE_NMS
    sc = jnp.pad(top_scores, ((0, 0), (0, pad)), constant_values=-jnp.inf)
    ag = jnp.pad(anchors_g, ((0, 0), (0, pad), (0, 0)))
    dg = jnp.pad(deltas_g, ((0, 0), (0, pad), (0, 0)))
    ag = ag.transpose(0, 2, 1).reshape(b, 4, _ROWS, 128)
    dg = dg.transpose(0, 2, 1).reshape(b, 4, _ROWS, 128)
    ag = ag.transpose(1, 0, 2, 3).reshape(4, b * _ROWS, 128)
    dg = dg.transpose(1, 0, 2, 3).reshape(4, b * _ROWS, 128)
    sc = sc.reshape(b * _ROWS, 128)

    out_sds = jax.ShapeDtypeStruct((b * _OROWS, 128), jnp.float32)
    outs = pl.pallas_call(
        _nms_kernel,
        out_shape=[out_sds, out_sds, out_sds, out_sds],
        scratch_shapes=[pltpu.VMEM((b * _ROWS, 128), jnp.float32)] * 5,
    )(ag, dg, sc)

    py1, px1, py2, px2 = [
        o.reshape(b, _OROWS * 128)[:, :_PROPOSAL_COUNT] for o in outs
    ]
    return jnp.stack([py1, px1, py2, px2], axis=-1)

# --- scband reference (transcript-rebuilt; emitter-appended) ---
"""Pipeline reference for scband-proposal-layer-43396349558838 (READ-ONLY COPY).

The authoritative reference and input builder live on the scoring server;
editing this copy changes nothing except your own understanding.
"""

import jax, jax.numpy as jnp
import numpy as np

PROPOSAL_COUNT = 2000
PRE_NMS_LIMIT = 6000
NMS_THRESHOLD = 0.7
RPN_BBOX_STD_DEV = np.array([0.1, 0.1, 0.2, 0.2], dtype=np.float32)
BATCH = 2
NUM_ANCHORS = 261888


def setup_inputs(seed: int = 0):
    key = jax.random.key(seed)
    k1, k2, k3 = jax.random.split(key, 3)
    rpn_probs = jax.random.uniform(k1, (BATCH, NUM_ANCHORS, 2), dtype=jnp.float32)
    rpn_bbox = jax.random.normal(k2, (BATCH, NUM_ANCHORS, 4), dtype=jnp.float32)
    raw = jax.random.uniform(k3, (BATCH, NUM_ANCHORS, 4), dtype=jnp.float32)
    y1 = jnp.minimum(raw[..., 0], raw[..., 2])
    y2 = jnp.maximum(raw[..., 0], raw[..., 2])
    x1 = jnp.minimum(raw[..., 1], raw[..., 3])
    x2 = jnp.maximum(raw[..., 1], raw[..., 3])
    anchors = jnp.stack([y1, x1, y2, x2], axis=-1)
    return {"rpn_probs": rpn_probs, "rpn_bbox": rpn_bbox, "anchors": anchors}


def apply_box_deltas(boxes, deltas):
    height = boxes[..., 2] - boxes[..., 0]
    width = boxes[..., 3] - boxes[..., 1]
    center_y = boxes[..., 0] + 0.5 * height
    center_x = boxes[..., 1] + 0.5 * width
    center_y = center_y + deltas[..., 0] * height
    center_x = center_x + deltas[..., 1] * width
    height = height * jnp.exp(deltas[..., 2])
    width = width * jnp.exp(deltas[..., 3])
    y1 = center_y - 0.5 * height
    x1 = center_x - 0.5 * width
    y2 = y1 + height
    x2 = x1 + width
    return jnp.stack([y1, x1, y2, x2], axis=-1)


def clip_boxes(boxes):
    # window is [0, 0, 1, 1]; clipping every coordinate to [0, 1] is equivalent
    return jnp.clip(boxes, 0.0, 1.0)


def nms_indices(boxes, scores, max_out, iou_thr):
    n = boxes.shape[0]
    y1, x1, y2, x2 = boxes[:, 0], boxes[:, 1], boxes[:, 2], boxes[:, 3]
    areas = (y2 - y1) * (x2 - x1)

    def body(k, state):
        valid, sel = state
        masked = jnp.where(valid, scores, -jnp.inf)
        i = jnp.argmax(masked)
        ok = masked[i] > -jnp.inf
        yy1 = jnp.maximum(y1, y1[i])
        xx1 = jnp.maximum(x1, x1[i])
        yy2 = jnp.minimum(y2, y2[i])
        xx2 = jnp.minimum(x2, x2[i])
        inter = jnp.maximum(yy2 - yy1, 0.0) * jnp.maximum(xx2 - xx1, 0.0)
        iou = inter / (areas + areas[i] - inter + 1e-8)
        valid = valid & (iou <= iou_thr)
        valid = valid.at[i].set(False)
        sel = sel.at[k].set(jnp.where(ok, i.astype(jnp.int32), jnp.int32(-1)))
        return valid, sel

    valid0 = jnp.ones((n,), dtype=bool)
    sel0 = jnp.full((max_out,), -1, dtype=jnp.int32)
    _, sel = jax.lax.fori_loop(0, max_out, body, (valid0, sel0))
    return sel


def _compute_indices(rpn_probs, rpn_bbox, anchors):
    scores = rpn_probs[:, :, 1]
    deltas = rpn_bbox * jnp.asarray(RPN_BBOX_STD_DEV).reshape(1, 1, 4)
    pre = min(PRE_NMS_LIMIT, anchors.shape[1])
    top_scores, ix = jax.lax.top_k(scores, pre)
    deltas_g = jnp.take_along_axis(deltas, ix[:, :, None], axis=1)
    anchors_g = jnp.take_along_axis(anchors, ix[:, :, None], axis=1)
    boxes = clip_boxes(apply_box_deltas(anchors_g, deltas_g))
    sel = jax.vmap(lambda b, s: nms_indices(b, s, PROPOSAL_COUNT, NMS_THRESHOLD))(boxes, top_scores)
    return ix, sel


def _forward_with_indices(rpn_probs, rpn_bbox, anchors, ix, sel):
    deltas = rpn_bbox * jnp.asarray(RPN_BBOX_STD_DEV).reshape(1, 1, 4)
    deltas_g = jnp.take_along_axis(deltas, ix[:, :, None], axis=1)
    anchors_g = jnp.take_along_axis(anchors, ix[:, :, None], axis=1)
    boxes = clip_boxes(apply_box_deltas(anchors_g, deltas_g))
    safe = jnp.maximum(sel, 0)
    props = jnp.take_along_axis(boxes, safe[:, :, None], axis=1)
    props = jnp.where((sel >= 0)[:, :, None], props, 0.0)
    return props


def reference(rpn_probs, rpn_bbox, anchors):
    ix, sel = _compute_indices(rpn_probs, rpn_bbox, anchors)
    return _forward_with_indices(rpn_probs, rpn_bbox, anchors, ix, sel)

if __name__ == "__main__":
    import jax
    _d = setup_inputs()
    print(jax.jit(kernel)(*tuple(_d.values())))

</pallas_src>

<mosaic_0001>
module attributes {stable_mosaic.version = 14 : i64} {
  func.func @_nms_kernel(%arg0: memref<4x96x128xf32, #tpu.memory_space<vmem>>, %arg1: memref<4x96x128xf32, #tpu.memory_space<vmem>>, %arg2: memref<96x128xf32, #tpu.memory_space<vmem>>, %arg3: memref<32x128xf32, #tpu.memory_space<vmem>>, %arg4: memref<32x128xf32, #tpu.memory_space<vmem>>, %arg5: memref<32x128xf32, #tpu.memory_space<vmem>>, %arg6: memref<32x128xf32, #tpu.memory_space<vmem>>, %arg7: memref<96x128xf32, #tpu.memory_space<vmem>>, %arg8: memref<96x128xf32, #tpu.memory_space<vmem>>, %arg9: memref<96x128xf32, #tpu.memory_space<vmem>>, %arg10: memref<96x128xf32, #tpu.memory_space<vmem>>, %arg11: memref<96x128xf32, #tpu.memory_space<vmem>>) attributes {dimension_semantics = [], scalar_prefetch = 0 : i64, scratch_operands = 5 : i64, tpu.core_type = #tpu.core_type<tc>} {
    %get3A = arith.constant 0 : index
    %get3A_0 = arith.constant 0 : index
    %get3A_1 = arith.constant 0 : index
    %get3A_2 = vector.load %arg0[%get3A, %get3A_0, %get3A_1] : memref<4x96x128xf32, #tpu.memory_space<vmem>>, vector<1x96x128xf32>
    %get3A_3 = vector.shape_cast %get3A_2 : vector<1x96x128xf32> to vector<96x128xf32>
    %get3A_4 = arith.constant 1 : index
    %get3A_5 = arith.constant 0 : index
    %get3A_6 = arith.constant 0 : index
    %get3A_7 = vector.load %arg0[%get3A_4, %get3A_5, %get3A_6] : memref<4x96x128xf32, #tpu.memory_space<vmem>>, vector<1x96x128xf32>
    %get3A_8 = vector.shape_cast %get3A_7 : vector<1x96x128xf32> to vector<96x128xf32>
    %get3A_9 = arith.constant 2 : index
    %get3A_10 = arith.constant 0 : index
    %get3A_11 = arith.constant 0 : index
    %get3A_12 = vector.load %arg0[%get3A_9, %get3A_10, %get3A_11] : memref<4x96x128xf32, #tpu.memory_space<vmem>>, vector<1x96x128xf32>
    %get3A_13 = vector.shape_cast %get3A_12 : vector<1x96x128xf32> to vector<96x128xf32>
    %get3A_14 = arith.constant 3 : index
    %get3A_15 = arith.constant 0 : index
    %get3A_16 = arith.constant 0 : index
    %get3A_17 = vector.load %arg0[%get3A_14, %get3A_15, %get3A_16] : memref<4x96x128xf32, #tpu.memory_space<vmem>>, vector<1x96x128xf32>
    %get3A_18 = vector.shape_cast %get3A_17 : vector<1x96x128xf32> to vector<96x128xf32>
    %get3A_19 = arith.constant 0 : index
    %get3A_20 = arith.constant 0 : index
    %get3A_21 = arith.constant 0 : index
    %get3A_22 = vector.load %arg1[%get3A_19, %get3A_20, %get3A_21] : memref<4x96x128xf32, #tpu.memory_space<vmem>>, vector<1x96x128xf32>
    %get3A_23 = vector.shape_cast %get3A_22 : vector<1x96x128xf32> to vector<96x128xf32>
    %mul3A = arith.constant 1.000000e-01 : f32
    %mul3A_24 = vector.broadcast %mul3A : f32 to vector<96x128xf32>
    %mul3A_25 = arith.mulf %get3A_23, %mul3A_24 : vector<96x128xf32>
    %get3A_26 = arith.constant 1 : index
    %get3A_27 = arith.constant 0 : index
    %get3A_28 = arith.constant 0 : index
    %get3A_29 = vector.load %arg1[%get3A_26, %get3A_27, %get3A_28] : memref<4x96x128xf32, #tpu.memory_space<vmem>>, vector<1x96x128xf32>
    %get3A_30 = vector.shape_cast %get3A_29 : vector<1x96x128xf32> to vector<96x128xf32>
    %mul3A_31 = arith.constant 1.000000e-01 : f32
    %mul3A_32 = vector.broadcast %mul3A_31 : f32 to vector<96x128xf32>
    %mul3A_33 = arith.mulf %get3A_30, %mul3A_32 : vector<96x128xf32>
    %get3A_34 = arith.constant 2 : index
    %get3A_35 = arith.constant 0 : index
    %get3A_36 = arith.constant 0 : index
    %get3A_37 = vector.load %arg1[%get3A_34, %get3A_35, %get3A_36] : memref<4x96x128xf32, #tpu.memory_space<vmem>>, vector<1x96x128xf32>
    %get3A_38 = vector.shape_cast %get3A_37 : vector<1x96x128xf32> to vector<96x128xf32>
    %mul3A_39 = arith.constant 2.000000e-01 : f32
    %mul3A_40 = vector.broadcast %mul3A_39 : f32 to vector<96x128xf32>
    %mul3A_41 = arith.mulf %get3A_38, %mul3A_40 : vector<96x128xf32>
    %get3A_42 = arith.constant 3 : index
    %get3A_43 = arith.constant 0 : index
    %get3A_44 = arith.constant 0 : index
    %get3A_45 = vector.load %arg1[%get3A_42, %get3A_43, %get3A_44] : memref<4x96x128xf32, #tpu.memory_space<vmem>>, vector<1x96x128xf32>
    %get3A_46 = vector.shape_cast %get3A_45 : vector<1x96x128xf32> to vector<96x128xf32>
    %mul3A_47 = arith.constant 2.000000e-01 : f32
    %mul3A_48 = vector.broadcast %mul3A_47 : f32 to vector<96x128xf32>
    %mul3A_49 = arith.mulf %get3A_46, %mul3A_48 : vector<96x128xf32>
    %sub3A = arith.subf %get3A_13, %get3A_3 : vector<96x128xf32>
    %sub3A_50 = arith.subf %get3A_18, %get3A_8 : vector<96x128xf32>
    %mul3A_51 = arith.constant 5.000000e-01 : f32
    %mul3A_52 = vector.broadcast %mul3A_51 : f32 to vector<96x128xf32>
    %mul3A_53 = arith.mulf %mul3A_52, %sub3A : vector<96x128xf32>
    %add3A = arith.addf %get3A_3, %mul3A_53 : vector<96x128xf32>
    %mul3A_54 = arith.mulf %mul3A_25, %sub3A : vector<96x128xf32>
    %add3A_55 = arith.addf %add3A, %mul3A_54 : vector<96x128xf32>
    %mul3A_56 = arith.constant 5.000000e-01 : f32
    %mul3A_57 = vector.broadcast %mul3A_56 : f32 to vector<96x128xf32>
    %mul3A_58 = arith.mulf %mul3A_57, %sub3A_50 : vector<96x128xf32>
    %add3A_59 = arith.addf %get3A_8, %mul3A_58 : vector<96x128xf32>
    %mul3A_60 = arith.mulf %mul3A_33, %sub3A_50 : vector<96x128xf32>
    %add3A_61 = arith.addf %add3A_59, %mul3A_60 : vector<96x128xf32>
    %exp3A = math.exp %mul3A_41 : vector<96x128xf32>
    %mul3A_62 = arith.mulf %sub3A, %exp3A : vector<96x128xf32>
    %exp3A_63 = math.exp %mul3A_49 : vector<96x128xf32>
    %mul3A_64 = arith.mulf %sub3A_50, %exp3A_63 : vector<96x128xf32>
    %mul3A_65 = arith.constant 5.000000e-01 : f32
    %mul3A_66 = vector.broadcast %mul3A_65 : f32 to vector<96x128xf32>
    %mul3A_67 = arith.mulf %mul3A_66, %mul3A_62 : vector<96x128xf32>
    %sub3A_68 = arith.subf %add3A_55, %mul3A_67 : vector<96x128xf32>
    %mul3A_69 = arith.constant 5.000000e-01 : f32
    %mul3A_70 = vector.broadcast %mul3A_69 : f32 to vector<96x128xf32>
    %mul3A_71 = arith.mulf %mul3A_70, %mul3A_64 : vector<96x128xf32>
    %sub3A_72 = arith.subf %add3A_61, %mul3A_71 : vector<96x128xf32>
    %jit3A = arith.constant 0.000000e+00 : f32
    %jit3A_73 = arith.constant 1.000000e+00 : f32
    %max3A = vector.broadcast %jit3A : f32 to vector<96x128xf32>
    %max3A_74 = arith.maximumf %max3A, %sub3A_68 : vector<96x128xf32>
    %min3A = vector.broadcast %jit3A_73 : f32 to vector<96x128xf32>
    %min3A_75 = arith.minimumf %min3A, %max3A_74 : vector<96x128xf32>
    %jit3A_76 = arith.constant 0.000000e+00 : f32
    %jit3A_77 = arith.constant 1.000000e+00 : f32
    %max3A_78 = vector.broadcast %jit3A_76 : f32 to vector<96x128xf32>
    %max3A_79 = arith.maximumf %max3A_78, %sub3A_72 : vector<96x128xf32>
    %min3A_80 = vector.broadcast %jit3A_77 : f32 to vector<96x128xf32>
    %min3A_81 = arith.minimumf %min3A_80, %max3A_79 : vector<96x128xf32>
    %add3A_82 = arith.addf %sub3A_68, %mul3A_62 : vector<96x128xf32>
    %jit3A_83 = arith.constant 0.000000e+00 : f32
    %jit3A_84 = arith.constant 1.000000e+00 : f32
    %max3A_85 = vector.broadcast %jit3A_83 : f32 to vector<96x128xf32>
    %max3A_86 = arith.maximumf %max3A_85, %add3A_82 : vector<96x128xf32>
    %min3A_87 = vector.broadcast %jit3A_84 : f32 to vector<96x128xf32>
    %min3A_88 = arith.minimumf %min3A_87, %max3A_86 : vector<96x128xf32>
    %add3A_89 = arith.addf %sub3A_72, %mul3A_64 : vector<96x128xf32>
    %jit3A_90 = arith.constant 0.000000e+00 : f32
    %jit3A_91 = arith.constant 1.000000e+00 : f32
    %max3A_92 = vector.broadcast %jit3A_90 : f32 to vector<96x128xf32>
    %max3A_93 = arith.maximumf %max3A_92, %add3A_89 : vector<96x128xf32>
    %min3A_94 = vector.broadcast %jit3A_91 : f32 to vector<96x128xf32>
    %min3A_95 = arith.minimumf %min3A_94, %max3A_93 : vector<96x128xf32>
    %sub3A_96 = arith.subf %min3A_88, %min3A_75 : vector<96x128xf32>
    %sub3A_97 = arith.subf %min3A_95, %min3A_81 : vector<96x128xf32>
    %mul3A_98 = arith.mulf %sub3A_96, %sub3A_97 : vector<96x128xf32>
    %swap3A = arith.constant 0 : index
    %swap3A_99 = arith.constant 0 : index
    %swap3A_100 = vector.load %arg7[%swap3A, %swap3A_99] : memref<96x128xf32, #tpu.memory_space<vmem>>, vector<96x128xf32>
    tpu.vector_store %arg7[%swap3A, %swap3A_99], %min3A_75 {strides = array<i32>} : memref<96x128xf32, #tpu.memory_space<vmem>>, vector<96x128xf32>,
    %swap3A_101 = arith.constant 0 : index
    %swap3A_102 = arith.constant 0 : index
    %swap3A_103 = vector.load %arg8[%swap3A_101, %swap3A_102] : memref<96x128xf32, #tpu.memory_space<vmem>>, vector<96x128xf32>
    tpu.vector_store %arg8[%swap3A_101, %swap3A_102], %min3A_81 {strides = array<i32>} : memref<96x128xf32, #tpu.memory_space<vmem>>, vector<96x128xf32>,
    %swap3A_104 = arith.constant 0 : index
    %swap3A_105 = arith.constant 0 : index
    %swap3A_106 = vector.load %arg9[%swap3A_104, %swap3A_105] : memref<96x128xf32, #tpu.memory_space<vmem>>, vector<96x128xf32>
    tpu.vector_store %arg9[%swap3A_104, %swap3A_105], %min3A_88 {strides = array<i32>} : memref<96x128xf32, #tpu.memory_space<vmem>>, vector<96x128xf32>,
    %swap3A_107 = arith.constant 0 : index
    %swap3A_108 = arith.constant 0 : index
    %swap3A_109 = vector.load %arg10[%swap3A_107, %swap3A_108] : memref<96x128xf32, #tpu.memory_space<vmem>>, vector<96x128xf32>
    tpu.vector_store %arg10[%swap3A_107, %swap3A_108], %min3A_95 {strides = array<i32>} : memref<96x128xf32, #tpu.memory_space<vmem>>, vector<96x128xf32>,
    %swap3A_110 = arith.constant 0 : index
    %swap3A_111 = arith.constant 0 : index
    %swap3A_112 = vector.load %arg11[%swap3A_110, %swap3A_111] : memref<96x128xf32, #tpu.memory_space<vmem>>, vector<96x128xf32>
    tpu.vector_store %arg11[%swap3A_110, %swap3A_111], %mul3A_98 {strides = array<i32>} : memref<96x128xf32, #tpu.memory_space<vmem>>, vector<96x128xf32>,
    %iota3A = tpu.iota {dimensions = array<i32: 0>} : vector<96x128xi32>
    %iota3A_113 = tpu.iota {dimensions = array<i32: 1>} : vector<96x128xi32>
    %mul3A_114 = arith.constant 128 : i32
    %mul3A_115 = vector.broadcast %mul3A_114 : i32 to vector<96x128xi32>
    %mul3A_116 = arith.muli %iota3A, %mul3A_115 : vector<96x128xi32>
    %add3A_117 = arith.addi %mul3A_116, %iota3A_113 : vector<96x128xi32>
    %iota3A_118 = tpu.iota {dimensions = array<i32: 1>} : vector<1x128xi32>
    %lt3A = arith.constant 48 : i32
    %lt3A_119 = vector.broadcast %lt3A : i32 to vector<96x128xi32>
    %lt3A_120 = arith.cmpi slt, %iota3A, %lt3A_119 : vector<96x128xi32>
    %broadcast_in_dim3A = arith.constant 0.000000e+00 : f32
    %broadcast_in_dim3A_121 = vector.broadcast %broadcast_in_dim3A : f32 to vector<32x128xf32>
    %swap3A_122 = arith.constant 0 : index
    %swap3A_123 = arith.constant 0 : index
    %swap3A_124 = vector.load %arg3[%swap3A_122, %swap3A_123] : memref<32x128xf32, #tpu.memory_space<vmem>>, vector<32x128xf32>
    tpu.vector_store %arg3[%swap3A_122, %swap3A_123], %broadcast_in_dim3A_121 {strides = array<i32>} : memref<32x128xf32, #tpu.memory_space<vmem>>, vector<32x128xf32>,
    %swap3A_125 = arith.constant 0 : index
    %swap3A_126 = arith.constant 0 : index
    %swap3A_127 = vector.load %arg4[%swap3A_125, %swap3A_126] : memref<32x128xf32, #tpu.memory_space<vmem>>, vector<32x128xf32>
    tpu.vector_store %arg4[%swap3A_125, %swap3A_126], %broadcast_in_dim3A_121 {strides = array<i32>} : memref<32x128xf32, #tpu.memory_space<vmem>>, vector<32x128xf32>,
    %swap3A_128 = arith.constant 0 : index
    %swap3A_129 = arith.constant 0 : index
    %swap3A_130 = vector.load %arg5[%swap3A_128, %swap3A_129] : memref<32x128xf32, #tpu.memory_space<vmem>>, vector<32x128xf32>
    tpu.vector_store %arg5[%swap3A_128, %swap3A_129], %broadcast_in_dim3A_121 {strides = array<i32>} : memref<32x128xf32, #tpu.memory_space<vmem>>, vector<32x128xf32>,
    %swap3A_131 = arith.constant 0 : index
    %swap3A_132 = arith.constant 0 : index
    %swap3A_133 = vector.load %arg6[%swap3A_131, %swap3A_132] : memref<32x128xf32, #tpu.memory_space<vmem>>, vector<32x128xf32>
    tpu.vector_store %arg6[%swap3A_131, %swap3A_132], %broadcast_in_dim3A_121 {strides = array<i32>} : memref<32x128xf32, #tpu.memory_space<vmem>>, vector<32x128xf32>,
    %get3A_134 = arith.constant 0 : index
    %get3A_135 = arith.constant 0 : index
    %get3A_136 = vector.load %arg2[%get3A_134, %get3A_135] : memref<96x128xf32, #tpu.memory_space<vmem>>, vector<96x128xf32>
    %scan3A = arith.constant 0xFF800000 : f32
    %scan3A_137 = arith.constant 2147483647 : i32
    %scan3A_138 = arith.constant 0 : i32
    %scan3A_139 = arith.constant 2000 : i32
    %scan3A_140 = arith.addi %scan3A_138, %scan3A_139 : i32
    %scan3A_141 = arith.constant 1 : i32
    %scan3A_142 = scf.for %scan3A_144 = %scan3A_138 to %scan3A_140 step %scan3A_141 iter_args(%scan3A_145 = %get3A_136) -> (vector<96x128xf32>)  : i32 {
      %gt3A = vector.broadcast %scan3A : f32 to vector<96x128xf32>
      %gt3A_146 = arith.cmpf ogt, %scan3A_145, %gt3A : vector<96x128xf32>
      %broadcast_in_dim3A_147 = vector.broadcast %scan3A_137 : i32 to vector<96x128xi32>
      %select_n3A = arith.select %gt3A_146, %add3A_117, %broadcast_in_dim3A_147 : vector<96x128xi1>, vector<96x128xi32>
      %broadcast_in_dim3A_148 = vector.broadcast %scan3A_137 : i32 to vector<96x128xi32>
      %select_n3A_149 = arith.select %lt3A_120, %select_n3A, %broadcast_in_dim3A_148 : vector<96x128xi1>, vector<96x128xi32>
      %reduce_min3A = vector.shape_cast %select_n3A_149 : vector<96x128xi32> to vector<1x96x128xi32>
      %reduce_min3A_150 = arith.constant dense<2147483647> : vector<1xi32>
      %reduce_min3A_151 = vector.multi_reduction <minsi>, %reduce_min3A, %reduce_min3A_150 [1, 2] : vector<1x96x128xi32> to vector<1xi32>
      %reduce_min3A_152 = vector.shape_cast %reduce_min3A_151 : vector<1xi32> to vector<1x1x1xi32>
      %reduce_min3A_153 = vector.extract %reduce_min3A_152[0, 0, 0] : i32 from vector<1x1x1xi32>
      %broadcast_in_dim3A_154 = vector.broadcast %scan3A_137 : i32 to vector<96x128xi32>
      %select_n3A_155 = arith.select %lt3A_120, %broadcast_in_dim3A_154, %select_n3A : vector<96x128xi1>, vector<96x128xi32>
      %reduce_min3A_156 = vector.shape_cast %select_n3A_155 : vector<96x128xi32> to vector<1x96x128xi32>
      %reduce_min3A_157 = arith.constant dense<2147483647> : vector<1xi32>
      %reduce_min3A_158 = vector.multi_reduction <minsi>, %reduce_min3A_156, %reduce_min3A_157 [1, 2] : vector<1x96x128xi32> to vector<1xi32>
      %reduce_min3A_159 = vector.shape_cast %reduce_min3A_158 : vector<1xi32> to vector<1x1x1xi32>
      %reduce_min3A_160 = vector.extract %reduce_min3A_159[0, 0, 0] : i32 from vector<1x1x1xi32>
      %lt3A_161 = arith.cmpi slt, %reduce_min3A_153, %scan3A_137 : i32
      %lt3A_162 = arith.cmpi slt, %reduce_min3A_160, %scan3A_137 : i32
      %jit3A_163 = arith.constant 0 : i32
      %select_n3A_164 = arith.select %lt3A_161, %reduce_min3A_153, %jit3A_163 : i32
      %jit3A_165 = arith.constant 128 : i32
      %div3A = arith.divsi %select_n3A_164, %jit3A_165 : i32
      %sign3A = arith.constant 0 : i32
      %sign3A_166 = arith.cmpi sgt, %select_n3A_164, %sign3A : i32
      %sign3A_167 = arith.extui %sign3A_166 : i1 to i32
      %sign3A_168 = arith.constant 0 : i32
      %sign3A_169 = arith.cmpi slt, %select_n3A_164, %sign3A_168 : i32
      %sign3A_170 = arith.extui %sign3A_169 : i1 to i32
      %sign3A_171 = arith.subi %sign3A_167, %sign3A_170 : i32
      %sign3A_172 = arith.constant 0 : i32
      %sign3A_173 = arith.cmpi sgt, %jit3A_165, %sign3A_172 : i32
      %sign3A_174 = arith.extui %sign3A_173 : i1 to i32
      %sign3A_175 = arith.constant 0 : i32
      %sign3A_176 = arith.cmpi slt, %jit3A_165, %sign3A_175 : i32
      %sign3A_177 = arith.extui %sign3A_176 : i1 to i32
      %sign3A_178 = arith.subi %sign3A_174, %sign3A_177 : i32
      %ne3A = arith.cmpi ne, %sign3A_171, %sign3A_178 : i32
      %rem3A = arith.remsi %select_n3A_164, %jit3A_165 : i32
      %ne3A_179 = arith.constant 0 : i32
      %ne3A_180 = arith.cmpi ne, %rem3A, %ne3A_179 : i32
      %and3A = arith.andi %ne3A, %ne3A_180 : i1
      %sub3A_181 = arith.constant 1 : i32
      %sub3A_182 = arith.subi %div3A, %sub3A_181 : i32
      %select_n3A_183 = arith.select %and3A, %sub3A_182, %div3A : i32
      %jit3A_184 = arith.constant 6144 : i32
      %select_n3A_185 = arith.select %lt3A_162, %reduce_min3A_160, %jit3A_184 : i32
      %jit3A_186 = arith.constant 128 : i32
      %div3A_187 = arith.divsi %select_n3A_185, %jit3A_186 : i32
      %sign3A_188 = arith.constant 0 : i32
      %sign3A_189 = arith.cmpi sgt, %select_n3A_185, %sign3A_188 : i32
      %sign3A_190 = arith.extui %sign3A_189 : i1 to i32
      %sign3A_191 = arith.constant 0 : i32
      %sign3A_192 = arith.cmpi slt, %select_n3A_185, %sign3A_191 : i32
      %sign3A_193 = arith.extui %sign3A_192 : i1 to i32
      %sign3A_194 = arith.subi %sign3A_190, %sign3A_193 : i32
      %sign3A_195 = arith.constant 0 : i32
      %sign3A_196 = arith.cmpi sgt, %jit3A_186, %sign3A_195 : i32
      %sign3A_197 = arith.extui %sign3A_196 : i1 to i32
      %sign3A_198 = arith.constant 0 : i32
      %sign3A_199 = arith.cmpi slt, %jit3A_186, %sign3A_198 : i32
      %sign3A_200 = arith.extui %sign3A_199 : i1 to i32
      %sign3A_201 = arith.subi %sign3A_197, %sign3A_200 : i32
      %ne3A_202 = arith.cmpi ne, %sign3A_194, %sign3A_201 : i32
      %rem3A_203 = arith.remsi %select_n3A_185, %jit3A_186 : i32
      %ne3A_204 = arith.constant 0 : i32
      %ne3A_205 = arith.cmpi ne, %rem3A_203, %ne3A_204 : i32
      %and3A_206 = arith.andi %ne3A_202, %ne3A_205 : i1
      %sub3A_207 = arith.constant 1 : i32
      %sub3A_208 = arith.subi %div3A_187, %sub3A_207 : i32
      %select_n3A_209 = arith.select %and3A_206, %sub3A_208, %div3A_187 : i32
      %jit3A_210 = arith.constant 128 : i32
      %eq3A = arith.constant 0 : i32
      %eq3A_211 = arith.cmpi eq, %jit3A_210, %eq3A : i32
      %jit3A_212 = arith.constant 1 : i32
      %select_n3A_213 = arith.select %eq3A_211, %jit3A_212, %jit3A_210 : i32
      %rem3A_214 = arith.remsi %reduce_min3A_153, %select_n3A_213 : i32
      %ne3A_215 = arith.constant 0 : i32
      %ne3A_216 = arith.cmpi ne, %rem3A_214, %ne3A_215 : i32
      %lt3A_217 = arith.constant 0 : i32
      %lt3A_218 = arith.cmpi slt, %rem3A_214, %lt3A_217 : i32
      %lt3A_219 = arith.constant 0 : i32
      %lt3A_220 = arith.cmpi slt, %select_n3A_213, %lt3A_219 : i32
      %ne3A_221 = arith.xori %lt3A_218, %lt3A_220 : i1
      %and3A_222 = arith.andi %ne3A_221, %ne3A_216 : i1
      %add3A_223 = arith.addi %rem3A_214, %select_n3A_213 : i32
      %select_n3A_224 = arith.select %and3A_222, %add3A_223, %rem3A_214 : i32
      %eq3A_225 = vector.broadcast %select_n3A_224 : i32 to vector<1x128xi32>
      %eq3A_226 = arith.cmpi eq, %iota3A_118, %eq3A_225 : vector<1x128xi32>
      %jit3A_227 = arith.constant 128 : i32
      %eq3A_228 = arith.constant 0 : i32
      %eq3A_229 = arith.cmpi eq, %jit3A_227, %eq3A_228 : i32
      %jit3A_230 = arith.constant 1 : i32
      %select_n3A_231 = arith.select %eq3A_229, %jit3A_230, %jit3A_227 : i32
      %rem3A_232 = arith.remsi %reduce_min3A_160, %select_n3A_231 : i32
      %ne3A_233 = arith.constant 0 : i32
      %ne3A_234 = arith.cmpi ne, %rem3A_232, %ne3A_233 : i32
      %lt3A_235 = arith.constant 0 : i32
      %lt3A_236 = arith.cmpi slt, %rem3A_232, %lt3A_235 : i32
      %lt3A_237 = arith.constant 0 : i32
      %lt3A_238 = arith.cmpi slt, %select_n3A_231, %lt3A_237 : i32
      %ne3A_239 = arith.xori %lt3A_236, %lt3A_238 : i1
      %and3A_240 = arith.andi %ne3A_239, %ne3A_234 : i1
      %add3A_241 = arith.addi %rem3A_232, %select_n3A_231 : i32
      %select_n3A_242 = arith.select %and3A_240, %add3A_241, %rem3A_232 : i32
      %eq3A_243 = vector.broadcast %select_n3A_242 : i32 to vector<1x128xi32>
      %eq3A_244 = arith.cmpi eq, %iota3A_118, %eq3A_243 : vector<1x128xi32>
      %get3A_245 = arith.index_cast %select_n3A_183 : i32 to index
      %get3A_246 = arith.constant 0 : index
      %get3A_247 = vector.load %arg7[%get3A_245, %get3A_246] : memref<96x128xf32, #tpu.memory_space<vmem>>, vector<1x128xf32>
      %jit3A_248 = arith.constant 0.000000e+00 : f32
      %broadcast_in_dim3A_249 = vector.broadcast %jit3A_248 : f32 to vector<1x128xf32>
      %select_n3A_250 = arith.select %eq3A_226, %get3A_247, %broadcast_in_dim3A_249 : vector<1x128xi1>, vector<1x128xf32>
      %reduce_sum3A = vector.shape_cast %select_n3A_250 : vector<1x128xf32> to vector<1x1x128xf32>
      %reduce_sum3A_251 = arith.constant dense<0.000000e+00> : vector<1xf32>
      %reduce_sum3A_252 = vector.multi_reduction <add>, %reduce_sum3A, %reduce_sum3A_251 [1, 2] : vector<1x1x128xf32> to vector<1xf32>
      %reduce_sum3A_253 = vector.shape_cast %reduce_sum3A_252 : vector<1xf32> to vector<1x1x1xf32>
      %reduce_sum3A_254 = vector.extract %reduce_sum3A_253[0, 0, 0] : f32 from vector<1x1x1xf32>
      %get3A_255 = arith.index_cast %select_n3A_209 : i32 to index
      %get3A_256 = arith.constant 0 : index
      %get3A_257 = vector.load %arg7[%get3A_255, %get3A_256] : memref<96x128xf32, #tpu.memory_space<vmem>>, vector<1x128xf32>
      %jit3A_258 = arith.constant 0.000000e+00 : f32
      %broadcast_in_dim3A_259 = vector.broadcast %jit3A_258 : f32 to vector<1x128xf32>
      %select_n3A_260 = arith.select %eq3A_244, %get3A_257, %broadcast_in_dim3A_259 : vector<1x128xi1>, vector<1x128xf32>
      %reduce_sum3A_261 = vector.shape_cast %select_n3A_260 : vector<1x128xf32> to vector<1x1x128xf32>
      %reduce_sum3A_262 = arith.constant dense<0.000000e+00> : vector<1xf32>
      %reduce_sum3A_263 = vector.multi_reduction <add>, %reduce_sum3A_261, %reduce_sum3A_262 [1, 2] : vector<1x1x128xf32> to vector<1xf32>
      %reduce_sum3A_264 = vector.shape_cast %reduce_sum3A_263 : vector<1xf32> to vector<1x1x1xf32>
      %reduce_sum3A_265 = vector.extract %reduce_sum3A_264[0, 0, 0] : f32 from vector<1x1x1xf32>
      %broadcast_in_dim3A_266 = vector.broadcast %reduce_sum3A_254 : f32 to vector<96x128xf32>
      %broadcast_in_dim3A_267 = vector.broadcast %reduce_sum3A_265 : f32 to vector<96x128xf32>
      %select_n3A_268 = arith.select %lt3A_120, %broadcast_in_dim3A_266, %broadcast_in_dim3A_267 : vector<96x128xi1>, vector<96x128xf32>
      %get3A_269 = arith.index_cast %select_n3A_183 : i32 to index
      %get3A_270 = arith.constant 0 : index
      %get3A_271 = vector.load %arg8[%get3A_269, %get3A_270] : memref<96x128xf32, #tpu.memory_space<vmem>>, vector<1x128xf32>
      %jit3A_272 = arith.constant 0.000000e+00 : f32
      %broadcast_in_dim3A_273 = vector.broadcast %jit3A_272 : f32 to vector<1x128xf32>
      %select_n3A_274 = arith.select %eq3A_226, %get3A_271, %broadcast_in_dim3A_273 : vector<1x128xi1>, vector<1x128xf32>
      %reduce_sum3A_275 = vector.shape_cast %select_n3A_274 : vector<1x128xf32> to vector<1x1x128xf32>
      %reduce_sum3A_276 = arith.constant dense<0.000000e+00> : vector<1xf32>
      %reduce_sum3A_277 = vector.multi_reduction <add>, %reduce_sum3A_275, %reduce_sum3A_276 [1, 2] : vector<1x1x128xf32> to vector<1xf32>
      %reduce_sum3A_278 = vector.shape_cast %reduce_sum3A_277 : vector<1xf32> to vector<1x1x1xf32>
      %reduce_sum3A_279 = vector.extract %reduce_sum3A_278[0, 0, 0] : f32 from vector<1x1x1xf32>
      %get3A_280 = arith.index_cast %select_n3A_209 : i32 to index
      %get3A_281 = arith.constant 0 : index
      %get3A_282 = vector.load %arg8[%get3A_280, %get3A_281] : memref<96x128xf32, #tpu.memory_space<vmem>>, vector<1x128xf32>
      %jit3A_283 = arith.constant 0.000000e+00 : f32
      %broadcast_in_dim3A_284 = vector.broadcast %jit3A_283 : f32 to vector<1x128xf32>
      %select_n3A_285 = arith.select %eq3A_244, %get3A_282, %broadcast_in_dim3A_284 : vector<1x128xi1>, vector<1x128xf32>
      %reduce_sum3A_286 = vector.shape_cast %select_n3A_285 : vector<1x128xf32> to vector<1x1x128xf32>
      %reduce_sum3A_287 = arith.constant dense<0.000000e+00> : vector<1xf32>
      %reduce_sum3A_288 = vector.multi_reduction <add>, %reduce_sum3A_286, %reduce_sum3A_287 [1, 2] : vector<1x1x128xf32> to vector<1xf32>
      %reduce_sum3A_289 = vector.shape_cast %reduce_sum3A_288 : vector<1xf32> to vector<1x1x1xf32>
      %reduce_sum3A_290 = vector.extract %reduce_sum3A_289[0, 0, 0] : f32 from vector<1x1x1xf32>
      %broadcast_in_dim3A_291 = vector.broadcast %reduce_sum3A_279 : f32 to vector<96x128xf32>
      %broadcast_in_dim3A_292 = vector.broadcast %reduce_sum3A_290 : f32 to vector<96x128xf32>
      %select_n3A_293 = arith.select %lt3A_120, %broadcast_in_dim3A_291, %broadcast_in_dim3A_292 : vector<96x128xi1>, vector<96x128xf32>
      %get3A_294 = arith.index_cast %select_n3A_183 : i32 to index
      %get3A_295 = arith.constant 0 : index
      %get3A_296 = vector.load %arg9[%get3A_294, %get3A_295] : memref<96x128xf32, #tpu.memory_space<vmem>>, vector<1x128xf32>
      %jit3A_297 = arith.constant 0.000000e+00 : f32
      %broadcast_in_dim3A_298 = vector.broadcast %jit3A_297 : f32 to vector<1x128xf32>
      %select_n3A_299 = arith.select %eq3A_226, %get3A_296, %broadcast_in_dim3A_298 : vector<1x128xi1>, vector<1x128xf32>
      %reduce_sum3A_300 = vector.shape_cast %select_n3A_299 : vector<1x128xf32> to vector<1x1x128xf32>
      %reduce_sum3A_301 = arith.constant dense<0.000000e+00> : vector<1xf32>
      %reduce_sum3A_302 = vector.multi_reduction <add>, %reduce_sum3A_300, %reduce_sum3A_301 [1, 2] : vector<1x1x128xf32> to vector<1xf32>
      %reduce_sum3A_303 = vector.shape_cast %reduce_sum3A_302 : vector<1xf32> to vector<1x1x1xf32>
      %reduce_sum3A_304 = vector.extract %reduce_sum3A_303[0, 0, 0] : f32 from vector<1x1x1xf32>
      %get3A_305 = arith.index_cast %select_n3A_209 : i32 to index
      %get3A_306 = arith.constant 0 : index
      %get3A_307 = vector.load %arg9[%get3A_305, %get3A_306] : memref<96x128xf32, #tpu.memory_space<vmem>>, vector<1x128xf32>
      %jit3A_308 = arith.constant 0.000000e+00 : f32
      %broadcast_in_dim3A_309 = vector.broadcast %jit3A_308 : f32 to vector<1x128xf32>
      %select_n3A_310 = arith.select %eq3A_244, %get3A_307, %broadcast_in_dim3A_309 : vector<1x128xi1>, vector<1x128xf32>
      %reduce_sum3A_311 = vector.shape_cast %select_n3A_310 : vector<1x128xf32> to vector<1x1x128xf32>
      %reduce_sum3A_312 = arith.constant dense<0.000000e+00> : vector<1xf32>
      %reduce_sum3A_313 = vector.multi_reduction <add>, %reduce_sum3A_311, %reduce_sum3A_312 [1, 2] : vector<1x1x128xf32> to vector<1xf32>
      %reduce_sum3A_314 = vector.shape_cast %reduce_sum3A_313 : vector<1xf32> to vector<1x1x1xf32>
      %reduce_sum3A_315 = vector.extract %reduce_sum3A_314[0, 0, 0] : f32 from vector<1x1x1xf32>
      %broadcast_in_dim3A_316 = vector.broadcast %reduce_sum3A_304 : f32 to vector<96x128xf32>
      %broadcast_in_dim3A_317 = vector.broadcast %reduce_sum3A_315 : f32 to vector<96x128xf32>
      %select_n3A_318 = arith.select %lt3A_120, %broadcast_in_dim3A_316, %broadcast_in_dim3A_317 : vector<96x128xi1>, vector<96x128xf32>
      %get3A_319 = arith.index_cast %select_n3A_183 : i32 to index
      %get3A_320 = arith.constant 0 : index
      %get3A_321 = vector.load %arg10[%get3A_319, %get3A_320] : memref<96x128xf32, #tpu.memory_space<vmem>>, vector<1x128xf32>
      %jit3A_322 = arith.constant 0.000000e+00 : f32
      %broadcast_in_dim3A_323 = vector.broadcast %jit3A_322 : f32 to vector<1x128xf32>
      %select_n3A_324 = arith.select %eq3A_226, %get3A_321, %broadcast_in_dim3A_323 : vector<1x128xi1>, vector<1x128xf32>
      %reduce_sum3A_325 = vector.shape_cast %select_n3A_324 : vector<1x128xf32> to vector<1x1x128xf32>
      %reduce_sum3A_326 = arith.constant dense<0.000000e+00> : vector<1xf32>
      %reduce_sum3A_327 = vector.multi_reduction <add>, %reduce_sum3A_325, %reduce_sum3A_326 [1, 2] : vector<1x1x128xf32> to vector<1xf32>
      %reduce_sum3A_328 = vector.shape_cast %reduce_sum3A_327 : vector<1xf32> to vector<1x1x1xf32>
      %reduce_sum3A_329 = vector.extract %reduce_sum3A_328[0, 0, 0] : f32 from vector<1x1x1xf32>
      %get3A_330 = arith.index_cast %select_n3A_209 : i32 to index
      %get3A_331 = arith.constant 0 : index
      %get3A_332 = vector.load %arg10[%get3A_330, %get3A_331] : memref<96x128xf32, #tpu.memory_space<vmem>>, vector<1x128xf32>
      %jit3A_333 = arith.constant 0.000000e+00 : f32
      %broadcast_in_dim3A_334 = vector.broadcast %jit3A_333 : f32 to vector<1x128xf32>
      %select_n3A_335 = arith.select %eq3A_244, %get3A_332, %broadcast_in_dim3A_334 : vector<1x128xi1>, vector<1x128xf32>
      %reduce_sum3A_336 = vector.shape_cast %select_n3A_335 : vector<1x128xf32> to vector<1x1x128xf32>
      %reduce_sum3A_337 = arith.constant dense<0.000000e+00> : vector<1xf32>
      %reduce_sum3A_338 = vector.multi_reduction <add>, %reduce_sum3A_336, %reduce_sum3A_337 [1, 2] : vector<1x1x128xf32> to vector<1xf32>
      %reduce_sum3A_339 = vector.shape_cast %reduce_sum3A_338 : vector<1xf32> to vector<1x1x1xf32>
      %reduce_sum3A_340 = vector.extract %reduce_sum3A_339[0, 0, 0] : f32 from vector<1x1x1xf32>
      %broadcast_in_dim3A_341 = vector.broadcast %reduce_sum3A_329 : f32 to vector<96x128xf32>
      %broadcast_in_dim3A_342 = vector.broadcast %reduce_sum3A_340 : f32 to vector<96x128xf32>
      %select_n3A_343 = arith.select %lt3A_120, %broadcast_in_dim3A_341, %broadcast_in_dim3A_342 : vector<96x128xi1>, vector<96x128xf32>
      %get3A_344 = arith.index_cast %select_n3A_183 : i32 to index
      %get3A_345 = arith.constant 0 : index
      %get3A_346 = vector.load %arg11[%get3A_344, %get3A_345] : memref<96x128xf32, #tpu.memory_space<vmem>>, vector<1x128xf32>
      %jit3A_347 = arith.constant 0.000000e+00 : f32
      %broadcast_in_dim3A_348 = vector.broadcast %jit3A_347 : f32 to vector<1x128xf32>
      %select_n3A_349 = arith.select %eq3A_226, %get3A_346, %broadcast_in_dim3A_348 : vector<1x128xi1>, vector<1x128xf32>
      %reduce_sum3A_350 = vector.shape_cast %select_n3A_349 : vector<1x128xf32> to vector<1x1x128xf32>
      %reduce_sum3A_351 = arith.constant dense<0.000000e+00> : vector<1xf32>
      %reduce_sum3A_352 = vector.multi_reduction <add>, %reduce_sum3A_350, %reduce_sum3A_351 [1, 2] : vector<1x1x128xf32> to vector<1xf32>
      %reduce_sum3A_353 = vector.shape_cast %reduce_sum3A_352 : vector<1xf32> to vector<1x1x1xf32>
      %reduce_sum3A_354 = vector.extract %reduce_sum3A_353[0, 0, 0] : f32 from vector<1x1x1xf32>
      %get3A_355 = arith.index_cast %select_n3A_209 : i32 to index
      %get3A_356 = arith.constant 0 : index
      %get3A_357 = vector.load %arg11[%get3A_355, %get3A_356] : memref<96x128xf32, #tpu.memory_space<vmem>>, vector<1x128xf32>
      %jit3A_358 = arith.constant 0.000000e+00 : f32
      %broadcast_in_dim3A_359 = vector.broadcast %jit3A_358 : f32 to vector<1x128xf32>
      %select_n3A_360 = arith.select %eq3A_244, %get3A_357, %broadcast_in_dim3A_359 : vector<1x128xi1>, vector<1x128xf32>
      %reduce_sum3A_361 = vector.shape_cast %select_n3A_360 : vector<1x128xf32> to vector<1x1x128xf32>
      %reduce_sum3A_362 = arith.constant dense<0.000000e+00> : vector<1xf32>
      %reduce_sum3A_363 = vector.multi_reduction <add>, %reduce_sum3A_361, %reduce_sum3A_362 [1, 2] : vector<1x1x128xf32> to vector<1xf32>
      %reduce_sum3A_364 = vector.shape_cast %reduce_sum3A_363 : vector<1xf32> to vector<1x1x1xf32>
      %reduce_sum3A_365 = vector.extract %reduce_sum3A_364[0, 0, 0] : f32 from vector<1x1x1xf32>
      %broadcast_in_dim3A_366 = vector.broadcast %reduce_sum3A_354 : f32 to vector<96x128xf32>
      %broadcast_in_dim3A_367 = vector.broadcast %reduce_sum3A_365 : f32 to vector<96x128xf32>
      %select_n3A_368 = arith.select %lt3A_120, %broadcast_in_dim3A_366, %broadcast_in_dim3A_367 : vector<96x128xi1>, vector<96x128xf32>
      %max3A_369 = arith.maximumf %min3A_75, %select_n3A_268 : vector<96x128xf32>
      %max3A_370 = arith.maximumf %min3A_81, %select_n3A_293 : vector<96x128xf32>
      %min3A_371 = arith.minimumf %min3A_88, %select_n3A_318 : vector<96x128xf32>
      %min3A_372 = arith.minimumf %min3A_95, %select_n3A_343 : vector<96x128xf32>
      %sub3A_373 = arith.subf %min3A_371, %max3A_369 : vector<96x128xf32>
      %max3A_374 = arith.constant 0.000000e+00 : f32
      %max3A_375 = vector.broadcast %max3A_374 : f32 to vector<96x128xf32>
      %max3A_376 = arith.maximumf %sub3A_373, %max3A_375 : vector<96x128xf32>
      %sub3A_377 = arith.subf %min3A_372, %max3A_370 : vector<96x128xf32>
      %max3A_378 = arith.constant 0.000000e+00 : f32
      %max3A_379 = vector.broadcast %max3A_378 : f32 to vector<96x128xf32>
      %max3A_380 = arith.maximumf %sub3A_377, %max3A_379 : vector<96x128xf32>
      %mul3A_381 = arith.mulf %max3A_376, %max3A_380 : vector<96x128xf32>
      %add3A_382 = arith.addf %mul3A_98, %select_n3A_368 : vector<96x128xf32>
      %sub3A_383 = arith.subf %add3A_382, %mul3A_381 : vector<96x128xf32>
      %add3A_384 = arith.constant 9.99999993E-9 : f32
      %add3A_385 = vector.broadcast %add3A_384 : f32 to vector<96x128xf32>
      %add3A_386 = arith.addf %sub3A_383, %add3A_385 : vector<96x128xf32>
      %div3A_387 = arith.divf %mul3A_381, %add3A_386 : vector<96x128xf32>
      %gt3A_388 = arith.constant 0.699999988 : f32
      %gt3A_389 = vector.broadcast %gt3A_388 : f32 to vector<96x128xf32>
      %gt3A_390 = arith.cmpf ogt, %div3A_387, %gt3A_389 : vector<96x128xf32>
      %eq3A_391 = vector.broadcast %reduce_min3A_153 : i32 to vector<96x128xi32>
      %eq3A_392 = arith.cmpi eq, %add3A_117, %eq3A_391 : vector<96x128xi32>
      %or3A = arith.ori %gt3A_390, %eq3A_392 : vector<96x128xi1>
      %eq3A_393 = vector.broadcast %reduce_min3A_160 : i32 to vector<96x128xi32>
      %eq3A_394 = arith.cmpi eq, %add3A_117, %eq3A_393 : vector<96x128xi32>
      %or3A_395 = arith.ori %or3A, %eq3A_394 : vector<96x128xi1>
      %broadcast_in_dim3A_396 = vector.broadcast %scan3A : f32 to vector<96x128xf32>
      %select_n3A_397 = arith.select %or3A_395, %broadcast_in_dim3A_396, %scan3A_145 : vector<96x128xi1>, vector<96x128xf32>
      %jit3A_398 = arith.constant 128 : i32
      %div3A_399 = arith.divsi %scan3A_144, %jit3A_398 : i32
      %sign3A_400 = arith.constant 0 : i32
      %sign3A_401 = arith.cmpi sgt, %scan3A_144, %sign3A_400 : i32
      %sign3A_402 = arith.extui %sign3A_401 : i1 to i32
      %sign3A_403 = arith.constant 0 : i32
      %sign3A_404 = arith.cmpi slt, %scan3A_144, %sign3A_403 : i32
      %sign3A_405 = arith.extui %sign3A_404 : i1 to i32
      %sign3A_406 = arith.subi %sign3A_402, %sign3A_405 : i32
      %sign3A_407 = arith.constant 0 : i32
      %sign3A_408 = arith.cmpi sgt, %jit3A_398, %sign3A_407 : i32
      %sign3A_409 = arith.extui %sign3A_408 : i1 to i32
      %sign3A_410 = arith.constant 0 : i32
      %sign3A_411 = arith.cmpi slt, %jit3A_398, %sign3A_410 : i32
      %sign3A_412 = arith.extui %sign3A_411 : i1 to i32
      %sign3A_413 = arith.subi %sign3A_409, %sign3A_412 : i32
      %ne3A_414 = arith.cmpi ne, %sign3A_406, %sign3A_413 : i32
      %rem3A_415 = arith.remsi %scan3A_144, %jit3A_398 : i32
      %ne3A_416 = arith.constant 0 : i32
      %ne3A_417 = arith.cmpi ne, %rem3A_415, %ne3A_416 : i32
      %and3A_418 = arith.andi %ne3A_414, %ne3A_417 : i1
      %sub3A_419 = arith.constant 1 : i32
      %sub3A_420 = arith.subi %div3A_399, %sub3A_419 : i32
      %select_n3A_421 = arith.select %and3A_418, %sub3A_420, %div3A_399 : i32
      %jit3A_422 = arith.constant 128 : i32
      %eq3A_423 = arith.constant 0 : i32
      %eq3A_424 = arith.cmpi eq, %jit3A_422, %eq3A_423 : i32
      %jit3A_425 = arith.constant 1 : i32
      %select_n3A_426 = arith.select %eq3A_424, %jit3A_425, %jit3A_422 : i32
      %rem3A_427 = arith.remsi %scan3A_144, %select_n3A_426 : i32
      %ne3A_428 = arith.constant 0 : i32
      %ne3A_429 = arith.cmpi ne, %rem3A_427, %ne3A_428 : i32
      %lt3A_430 = arith.constant 0 : i32
      %lt3A_431 = arith.cmpi slt, %rem3A_427, %lt3A_430 : i32
      %lt3A_432 = arith.constant 0 : i32
      %lt3A_433 = arith.cmpi slt, %select_n3A_426, %lt3A_432 : i32
      %ne3A_434 = arith.xori %lt3A_431, %lt3A_433 : i1
      %and3A_435 = arith.andi %ne3A_434, %ne3A_429 : i1
      %add3A_436 = arith.addi %rem3A_427, %select_n3A_426 : i32
      %select_n3A_437 = arith.select %and3A_435, %add3A_436, %rem3A_427 : i32
      %eq3A_438 = vector.broadcast %select_n3A_437 : i32 to vector<1x128xi32>
      %eq3A_439 = arith.cmpi eq, %iota3A_118, %eq3A_438 : vector<1x128xi32>
      %and3A_440 = vector.broadcast %lt3A_161 : i1 to vector<1x128xi1>
      %and3A_441 = arith.andi %eq3A_439, %and3A_440 : vector<1x128xi1>
      %jit3A_442 = arith.constant 128 : i32
      %eq3A_443 = arith.constant 0 : i32
      %eq3A_444 = arith.cmpi eq, %jit3A_442, %eq3A_443 : i32
      %jit3A_445 = arith.constant 1 : i32
      %select_n3A_446 = arith.select %eq3A_444, %jit3A_445, %jit3A_442 : i32
      %rem3A_447 = arith.remsi %scan3A_144, %select_n3A_446 : i32
      %ne3A_448 = arith.constant 0 : i32
      %ne3A_449 = arith.cmpi ne, %rem3A_447, %ne3A_448 : i32
      %lt3A_450 = arith.constant 0 : i32
      %lt3A_451 = arith.cmpi slt, %rem3A_447, %lt3A_450 : i32
      %lt3A_452 = arith.constant 0 : i32
      %lt3A_453 = arith.cmpi slt, %select_n3A_446, %lt3A_452 : i32
      %ne3A_454 = arith.xori %lt3A_451, %lt3A_453 : i1
      %and3A_455 = arith.andi %ne3A_454, %ne3A_449 : i1
      %add3A_456 = arith.addi %rem3A_447, %select_n3A_446 : i32
      %select_n3A_457 = arith.select %and3A_455, %add3A_456, %rem3A_447 : i32
      %eq3A_458 = vector.broadcast %select_n3A_457 : i32 to vector<1x128xi32>
      %eq3A_459 = arith.cmpi eq, %iota3A_118, %eq3A_458 : vector<1x128xi32>
      %and3A_460 = vector.broadcast %lt3A_162 : i1 to vector<1x128xi1>
      %and3A_461 = arith.andi %eq3A_459, %and3A_460 : vector<1x128xi1>
      %add3A_462 = arith.constant 16 : i32
      %add3A_463 = arith.addi %add3A_462, %select_n3A_421 : i32
      %get3A_464 = arith.index_cast %select_n3A_183 : i32 to index
      %get3A_465 = arith.constant 0 : index
      %get3A_466 = vector.load %arg7[%get3A_464, %get3A_465] : memref<96x128xf32, #tpu.memory_space<vmem>>, vector<1x128xf32>
      %jit3A_467 = arith.constant 0.000000e+00 : f32
      %broadcast_in_dim3A_468 = vector.broadcast %jit3A_467 : f32 to vector<1x128xf32>
      %select_n3A_469 = arith.select %eq3A_226, %get3A_466, %broadcast_in_dim3A_468 : vector<1x128xi1>, vector<1x128xf32>
      %reduce_sum3A_470 = vector.shape_cast %select_n3A_469 : vector<1x128xf32> to vector<1x1x128xf32>
      %reduce_sum3A_471 = arith.constant dense<0.000000e+00> : vector<1xf32>
      %reduce_sum3A_472 = vector.multi_reduction <add>, %reduce_sum3A_470, %reduce_sum3A_471 [1, 2] : vector<1x1x128xf32> to vector<1xf32>
      %reduce_sum3A_473 = vector.shape_cast %reduce_sum3A_472 : vector<1xf32> to vector<1x1x1xf32>
      %reduce_sum3A_474 = vector.extract %reduce_sum3A_473[0, 0, 0] : f32 from vector<1x1x1xf32>
      %get3A_475 = arith.index_cast %select_n3A_209 : i32 to index
      %get3A_476 = arith.constant 0 : index
      %get3A_477 = vector.load %arg7[%get3A_475, %get3A_476] : memref<96x128xf32, #tpu.memory_space<vmem>>, vector<1x128xf32>
      %jit3A_478 = arith.constant 0.000000e+00 : f32
      %broadcast_in_dim3A_479 = vector.broadcast %jit3A_478 : f32 to vector<1x128xf32>
      %select_n3A_480 = arith.select %eq3A_244, %get3A_477, %broadcast_in_dim3A_479 : vector<1x128xi1>, vector<1x128xf32>
      %reduce_sum3A_481 = vector.shape_cast %select_n3A_480 : vector<1x128xf32> to vector<1x1x128xf32>
      %reduce_sum3A_482 = arith.constant dense<0.000000e+00> : vector<1xf32>
      %reduce_sum3A_483 = vector.multi_reduction <add>, %reduce_sum3A_481, %reduce_sum3A_482 [1, 2] : vector<1x1x128xf32> to vector<1xf32>
      %reduce_sum3A_484 = vector.shape_cast %reduce_sum3A_483 : vector<1xf32> to vector<1x1x1xf32>
      %reduce_sum3A_485 = vector.extract %reduce_sum3A_484[0, 0, 0] : f32 from vector<1x1x1xf32>
      %get3A_486 = arith.index_cast %select_n3A_183 : i32 to index
      %get3A_487 = arith.constant 0 : index
      %get3A_488 = vector.load %arg8[%get3A_486, %get3A_487] : memref<96x128xf32, #tpu.memory_space<vmem>>, vector<1x128xf32>
      %jit3A_489 = arith.constant 0.000000e+00 : f32
      %broadcast_in_dim3A_490 = vector.broadcast %jit3A_489 : f32 to vector<1x128xf32>
      %select_n3A_491 = arith.select %eq3A_226, %get3A_488, %broadcast_in_dim3A_490 : vector<1x128xi1>, vector<1x128xf32>
      %reduce_sum3A_492 = vector.shape_cast %select_n3A_491 : vector<1x128xf32> to vector<1x1x128xf32>
      %reduce_sum3A_493 = arith.constant dense<0.000000e+00> : vector<1xf32>
      %reduce_sum3A_494 = vector.multi_reduction <add>, %reduce_sum3A_492, %reduce_sum3A_493 [1, 2] : vector<1x1x128xf32> to vector<1xf32>
      %reduce_sum3A_495 = vector.shape_cast %reduce_sum3A_494 : vector<1xf32> to vector<1x1x1xf32>
      %reduce_sum3A_496 = vector.extract %reduce_sum3A_495[0, 0, 0] : f32 from vector<1x1x1xf32>
      %get3A_497 = arith.index_cast %select_n3A_209 : i32 to index
      %get3A_498 = arith.constant 0 : index
      %get3A_499 = vector.load %arg8[%get3A_497, %get3A_498] : memref<96x128xf32, #tpu.memory_space<vmem>>, vector<1x128xf32>
      %jit3A_500 = arith.constant 0.000000e+00 : f32
      %broadcast_in_dim3A_501 = vector.broadcast %jit3A_500 : f32 to vector<1x128xf32>
      %select_n3A_502 = arith.select %eq3A_244, %get3A_499, %broadcast_in_dim3A_501 : vector<1x128xi1>, vector<1x128xf32>
      %reduce_sum3A_503 = vector.shape_cast %select_n3A_502 : vector<1x128xf32> to vector<1x1x128xf32>
      %reduce_sum3A_504 = arith.constant dense<0.000000e+00> : vector<1xf32>
      %reduce_sum3A_505 = vector.multi_reduction <add>, %reduce_sum3A_503, %reduce_sum3A_504 [1, 2] : vector<1x1x128xf32> to vector<1xf32>
      %reduce_sum3A_506 = vector.shape_cast %reduce_sum3A_505 : vector<1xf32> to vector<1x1x1xf32>
      %reduce_sum3A_507 = vector.extract %reduce_sum3A_506[0, 0, 0] : f32 from vector<1x1x1xf32>
      %get3A_508 = arith.index_cast %select_n3A_183 : i32 to index
      %get3A_509 = arith.constant 0 : index
      %get3A_510 = vector.load %arg9[%get3A_508, %get3A_509] : memref<96x128xf32, #tpu.memory_space<vmem>>, vector<1x128xf32>
      %jit3A_511 = arith.constant 0.000000e+00 : f32
      %broadcast_in_dim3A_512 = vector.broadcast %jit3A_511 : f32 to vector<1x128xf32>
      %select_n3A_513 = arith.select %eq3A_226, %get3A_510, %broadcast_in_dim3A_512 : vector<1x128xi1>, vector<1x128xf32>
      %reduce_sum3A_514 = vector.shape_cast %select_n3A_513 : vector<1x128xf32> to vector<1x1x128xf32>
      %reduce_sum3A_515 = arith.constant dense<0.000000e+00> : vector<1xf32>
      %reduce_sum3A_516 = vector.multi_reduction <add>, %reduce_sum3A_514, %reduce_sum3A_515 [1, 2] : vector<1x1x128xf32> to vector<1xf32>
      %reduce_sum3A_517 = vector.shape_cast %reduce_sum3A_516 : vector<1xf32> to vector<1x1x1xf32>
      %reduce_sum3A_518 = vector.extract %reduce_sum3A_517[0, 0, 0] : f32 from vector<1x1x1xf32>
      %get3A_519 = arith.index_cast %select_n3A_209 : i32 to index
      %get3A_520 = arith.constant 0 : index
      %get3A_521 = vector.load %arg9[%get3A_519, %get3A_520] : memref<96x128xf32, #tpu.memory_space<vmem>>, vector<1x128xf32>
      %jit3A_522 = arith.constant 0.000000e+00 : f32
      %broadcast_in_dim3A_523 = vector.broadcast %jit3A_522 : f32 to vector<1x128xf32>
      %select_n3A_524 = arith.select %eq3A_244, %get3A_521, %broadcast_in_dim3A_523 : vector<1x128xi1>, vector<1x128xf32>
      %reduce_sum3A_525 = vector.shape_cast %select_n3A_524 : vector<1x128xf32> to vector<1x1x128xf32>
      %reduce_sum3A_526 = arith.constant dense<0.000000e+00> : vector<1xf32>
      %reduce_sum3A_527 = vector.multi_reduction <add>, %reduce_sum3A_525, %reduce_sum3A_526 [1, 2] : vector<1x1x128xf32> to vector<1xf32>
      %reduce_sum3A_528 = vector.shape_cast %reduce_sum3A_527 : vector<1xf32> to vector<1x1x1xf32>
      %reduce_sum3A_529 = vector.extract %reduce_sum3A_528[0, 0, 0] : f32 from vector<1x1x1xf32>
      %get3A_530 = arith.index_cast %select_n3A_183 : i32 to index
      %get3A_531 = arith.constant 0 : index
      %get3A_532 = vector.load %arg10[%get3A_530, %get3A_531] : memref<96x128xf32, #tpu.memory_space<vmem>>, vector<1x128xf32>
      %jit3A_533 = arith.constant 0.000000e+00 : f32
      %broadcast_in_dim3A_534 = vector.broadcast %jit3A_533 : f32 to vector<1x128xf32>
      %select_n3A_535 = arith.select %eq3A_226, %get3A_532, %broadcast_in_dim3A_534 : vector<1x128xi1>, vector<1x128xf32>
      %reduce_sum3A_536 = vector.shape_cast %select_n3A_535 : vector<1x128xf32> to vector<1x1x128xf32>
      %reduce_sum3A_537 = arith.constant dense<0.000000e+00> : vector<1xf32>
      %reduce_sum3A_538 = vector.multi_reduction <add>, %reduce_sum3A_536, %reduce_sum3A_537 [1, 2] : vector<1x1x128xf32> to vector<1xf32>
      %reduce_sum3A_539 = vector.shape_cast %reduce_sum3A_538 : vector<1xf32> to vector<1x1x1xf32>
      %reduce_sum3A_540 = vector.extract %reduce_sum3A_539[0, 0, 0] : f32 from vector<1x1x1xf32>
      %get3A_541 = arith.index_cast %select_n3A_209 : i32 to index
      %get3A_542 = arith.constant 0 : index
      %get3A_543 = vector.load %arg10[%get3A_541, %get3A_542] : memref<96x128xf32, #tpu.memory_space<vmem>>, vector<1x128xf32>
      %jit3A_544 = arith.constant 0.000000e+00 : f32
      %broadcast_in_dim3A_545 = vector.broadcast %jit3A_544 : f32 to vector<1x128xf32>
      %select_n3A_546 = arith.select %eq3A_244, %get3A_543, %broadcast_in_dim3A_545 : vector<1x128xi1>, vector<1x128xf32>
      %reduce_sum3A_547 = vector.shape_cast %select_n3A_546 : vector<1x128xf32> to vector<1x1x128xf32>
      %reduce_sum3A_548 = arith.constant dense<0.000000e+00> : vector<1xf32>
      %reduce_sum3A_549 = vector.multi_reduction <add>, %reduce_sum3A_547, %reduce_sum3A_548 [1, 2] : vector<1x1x128xf32> to vector<1xf32>
      %reduce_sum3A_550 = vector.shape_cast %reduce_sum3A_549 : vector<1xf32> to vector<1x1x1xf32>
      %reduce_sum3A_551 = vector.extract %reduce_sum3A_550[0, 0, 0] : f32 from vector<1x1x1xf32>
      %get3A_552 = arith.index_cast %select_n3A_421 : i32 to index
      %get3A_553 = arith.constant 0 : index
      %get3A_554 = vector.load %arg3[%get3A_552, %get3A_553] : memref<32x128xf32, #tpu.memory_space<vmem>>, vector<1x128xf32>
      %broadcast_in_dim3A_555 = vector.broadcast %reduce_sum3A_474 : f32 to vector<1x128xf32>
      %select_n3A_556 = arith.select %and3A_441, %broadcast_in_dim3A_555, %get3A_554 : vector<1x128xi1>, vector<1x128xf32>
      %swap3A_557 = arith.index_cast %select_n3A_421 : i32 to index
      %swap3A_558 = arith.constant 0 : index
      %swap3A_559 = vector.load %arg3[%swap3A_557, %swap3A_558] : memref<32x128xf32, #tpu.memory_space<vmem>>, vector<1x128xf32>
      tpu.vector_store %arg3[%swap3A_557, %swap3A_558], %select_n3A_556 {strides = array<i32>} : memref<32x128xf32, #tpu.memory_space<vmem>>, vector<1x128xf32>,
      %get3A_560 = arith.index_cast %add3A_463 : i32 to index
      %get3A_561 = arith.constant 0 : index
      %get3A_562 = vector.load %arg3[%get3A_560, %get3A_561] : memref<32x128xf32, #tpu.memory_space<vmem>>, vector<1x128xf32>
      %broadcast_in_dim3A_563 = vector.broadcast %reduce_sum3A_485 : f32 to vector<1x128xf32>
      %select_n3A_564 = arith.select %and3A_461, %broadcast_in_dim3A_563, %get3A_562 : vector<1x128xi1>, vector<1x128xf32>
      %swap3A_565 = arith.index_cast %add3A_463 : i32 to index
      %swap3A_566 = arith.constant 0 : index
      %swap3A_567 = vector.load %arg3[%swap3A_565, %swap3A_566] : memref<32x128xf32, #tpu.memory_space<vmem>>, vector<1x128xf32>
      tpu.vector_store %arg3[%swap3A_565, %swap3A_566], %select_n3A_564 {strides = array<i32>} : memref<32x128xf32, #tpu.memory_space<vmem>>, vector<1x128xf32>,
      %get3A_568 = arith.index_cast %select_n3A_421 : i32 to index
      %get3A_569 = arith.constant 0 : index
      %get3A_570 = vector.load %arg4[%get3A_568, %get3A_569] : memref<32x128xf32, #tpu.memory_space<vmem>>, vector<1x128xf32>
      %broadcast_in_dim3A_571 = vector.broadcast %reduce_sum3A_496 : f32 to vector<1x128xf32>
      %select_n3A_572 = arith.select %and3A_441, %broadcast_in_dim3A_571, %get3A_570 : vector<1x128xi1>, vector<1x128xf32>
      %swap3A_573 = arith.index_cast %select_n3A_421 : i32 to index
      %swap3A_574 = arith.constant 0 : index
      %swap3A_575 = vector.load %arg4[%swap3A_573, %swap3A_574] : memref<32x128xf32, #tpu.memory_space<vmem>>, vector<1x128xf32>
      tpu.vector_store %arg4[%swap3A_573, %swap3A_574], %select_n3A_572 {strides = array<i32>} : memref<32x128xf32, #tpu.memory_space<vmem>>, vector<1x128xf32>,
      %get3A_576 = arith.index_cast %add3A_463 : i32 to index
      %get3A_577 = arith.constant 0 : index
      %get3A_578 = vector.load %arg4[%get3A_576, %get3A_577] : memref<32x128xf32, #tpu.memory_space<vmem>>, vector<1x128xf32>
      %broadcast_in_dim3A_579 = vector.broadcast %reduce_sum3A_507 : f32 to vector<1x128xf32>
      %select_n3A_580 = arith.select %and3A_461, %broadcast_in_dim3A_579, %get3A_578 : vector<1x128xi1>, vector<1x128xf32>
      %swap3A_581 = arith.index_cast %add3A_463 : i32 to index
      %swap3A_582 = arith.constant 0 : index
      %swap3A_583 = vector.load %arg4[%swap3A_581, %swap3A_582] : memref<32x128xf32, #tpu.memory_space<vmem>>, vector<1x128xf32>
      tpu.vector_store %arg4[%swap3A_581, %swap3A_582], %select_n3A_580 {strides = array<i32>} : memref<32x128xf32, #tpu.memory_space<vmem>>, vector<1x128xf32>,
      %get3A_584 = arith.index_cast %select_n3A_421 : i32 to index
      %get3A_585 = arith.constant 0 : index
      %get3A_586 = vector.load %arg5[%get3A_584, %get3A_585] : memref<32x128xf32, #tpu.memory_space<vmem>>, vector<1x128xf32>
      %broadcast_in_dim3A_587 = vector.broadcast %reduce_sum3A_518 : f32 to vector<1x128xf32>
      %select_n3A_588 = arith.select %and3A_441, %broadcast_in_dim3A_587, %get3A_586 : vector<1x128xi1>, vector<1x128xf32>
      %swap3A_589 = arith.index_cast %select_n3A_421 : i32 to index
      %swap3A_590 = arith.constant 0 : index
      %swap3A_591 = vector.load %arg5[%swap3A_589, %swap3A_590] : memref<32x128xf32, #tpu.memory_space<vmem>>, vector<1x128xf32>
      tpu.vector_store %arg5[%swap3A_589, %swap3A_590], %select_n3A_588 {strides = array<i32>} : memref<32x128xf32, #tpu.memory_space<vmem>>, vector<1x128xf32>,
      %get3A_592 = arith.index_cast %add3A_463 : i32 to index
      %get3A_593 = arith.constant 0 : index
      %get3A_594 = vector.load %arg5[%get3A_592, %get3A_593] : memref<32x128xf32, #tpu.memory_space<vmem>>, vector<1x128xf32>
      %broadcast_in_dim3A_595 = vector.broadcast %reduce_sum3A_529 : f32 to vector<1x128xf32>
      %select_n3A_596 = arith.select %and3A_461, %broadcast_in_dim3A_595, %get3A_594 : vector<1x128xi1>, vector<1x128xf32>
      %swap3A_597 = arith.index_cast %add3A_463 : i32 to index
      %swap3A_598 = arith.constant 0 : index
      %swap3A_599 = vector.load %arg5[%swap3A_597, %swap3A_598] : memref<32x128xf32, #tpu.memory_space<vmem>>, vector<1x128xf32>
      tpu.vector_store %arg5[%swap3A_597, %swap3A_598], %select_n3A_596 {strides = array<i32>} : memref<32x128xf32, #tpu.memory_space<vmem>>, vector<1x128xf32>,
      %get3A_600 = arith.index_cast %select_n3A_421 : i32 to index
      %get3A_601 = arith.constant 0 : index
      %get3A_602 = vector.load %arg6[%get3A_600, %get3A_601] : memref<32x128xf32, #tpu.memory_space<vmem>>, vector<1x128xf32>
      %broadcast_in_dim3A_603 = vector.broadcast %reduce_sum3A_540 : f32 to vector<1x128xf32>
      %select_n3A_604 = arith.select %and3A_441, %broadcast_in_dim3A_603, %get3A_602 : vector<1x128xi1>, vector<1x128xf32>
      %swap3A_605 = arith.index_cast %select_n3A_421 : i32 to index
      %swap3A_606 = arith.constant 0 : index
      %swap3A_607 = vector.load %arg6[%swap3A_605, %swap3A_606] : memref<32x128xf32, #tpu.memory_space<vmem>>, vector<1x128xf32>
      tpu.vector_store %arg6[%swap3A_605, %swap3A_606], %select_n3A_604 {strides = array<i32>} : memref<32x128xf32, #tpu.memory_space<vmem>>, vector<1x128xf32>,
      %get3A_608 = arith.index_cast %add3A_463 : i32 to index
      %get3A_609 = arith.constant 0 : index
      %get3A_610 = vector.load %arg6[%get3A_608, %get3A_609] : memref<32x128xf32, #tpu.memory_space<vmem>>, vector<1x128xf32>
      %broadcast_in_dim3A_611 = vector.broadcast %reduce_sum3A_551 : f32 to vector<1x128xf32>
      %select_n3A_612 = arith.select %and3A_461, %broadcast_in_dim3A_611, %get3A_610 : vector<1x128xi1>, vector<1x128xf32>
      %swap3A_613 = arith.index_cast %add3A_463 : i32 to index
      %swap3A_614 = arith.constant 0 : index
      %swap3A_615 = vector.load %arg6[%swap3A_613, %swap3A_614] : memref<32x128xf32, #tpu.memory_space<vmem>>, vector<1x128xf32>
      tpu.vector_store %arg6[%swap3A_613, %swap3A_614], %select_n3A_612 {strides = array<i32>} : memref<32x128xf32, #tpu.memory_space<vmem>>, vector<1x128xf32>,
      scf.yield %select_n3A_397 : vector<96x128xf32>
    }
    %scan3A_143 = arith.constant 2000 : i32
    return
  }
}

</mosaic_0001>

<sc_bundles>
// kernel: gather_offload_async_start.1
scs
__scs_entry_jumppad:
0x0: {  	(pc) =	sbr.rel $0x88, $3  }
0x1: {  	(tag) =	ssettag $0x0;
	lr =	simm.s32 $0x1  }
0x2: {  	[smem:$0x3F9E] =	sst lr;
	_ =	strace $0xD0000000  }
0x3: {  	_ = 	snop  }
0x4: {  	_ = 	snop  }
0x5: {  	_ = 	snop  }
0x6: {  	_ = 	snop  }
0x7: {  	_ = 	snop  }
__scs_overlays_trampoline_lowered:
0x8: {  	[smem:$0x3FAD] =	sst s0  }
0x9: {  	[smem:$0x3FAE] =	sst s1  }
0xa: {  	[smem:$0x3FAF] =	sst s2  }
0xb: {  	[smem:$0x3FB0] =	sst s3  }
0xc: {  	[smem:$0x3FB1] =	sst s4  }
0xd: {  	[smem:$0x3FB2] =	sst s5  }
0xe: {  	[smem:$0x3FB3] =	sst s6  }
0xf: {  	[smem:$0x3FB4] =	sst s7  }
0x10: {  	[smem:$0x3FB5] =	sst s8  }
0x11: {  	[smem:$0x3FB6] =	sst s9;
	s0 =	simm.s32 @!p0 $0x0  }
0x12: {  	s1 =	sld [smem:$0x3F9C];
	s0 =	simm.s32 @p0 $0x1  }
0x13: {  	[smem:$0x3FB7] =	sst s0;
	s0 =	simm.s32 @!p1 $0x0  }
0x14: {  	s2 =	sld [smem:$0x3F9B];
	s0 =	simm.s32 @p1 $0x1  }
0x15: {  	[smem:$0x3FB8] =	sst s0;
	s0 =	simm.s32 @!p2 $0x0  }
0x16: {  	s3 =	sld [smem:$0x3FDB];
	s0 =	simm.s32 @p2 $0x1  }
0x17: {  	s4 =	simm.s32 $0x1BF5;
	[smem:$0x3FBA] =	sst s0  }
0x18: {  	s0 =	sld [smem:$0x3F9D];
	_ =	swait.ge [sflag:s4], $0x0  }
0x19: {  	s7 =	sld [smem:$0x3F9E]  }
0x1a: {  	s8 =	sadd.s32 $0xFFFFE003, lr  }
0x1b: {  	s9 =	sadd.s32 $0xFFFFFEF7, lr;
	s5 =	simm.s32 $0xFFFFFFFF;
	p2 =	slt.u32 s8, $0xFFFFF086  }
0x1c: {  	p1 =	slt.u32 s9, $0xF7A;
	s5 =	simm.s32 @!p2 $0x0  }
0x1d: {  	s5 =	simm.s32 @p1 $0x1;
	p0 =	seq.s32 s7, s2  }
0x1e: {  	s7 =	smul.u32 @!p0 $0xF7A, s2;
	p2 =	seq.s32 @!p0 s5, $0x0  }
0x1f: {  	s9 =	smul.u32 $0xF7A, s1;
	s8 =	simm.s32 @!p0 $0x1BF5;
	p2 =	por !p2, p0  }
0x20: {  	[sflag:s8] =	ssyncset.s32 @!p0 $0xFFFFF086;
	s6 =	sadd.s32 @!p0 s3, s7;
	s7 =	simm.s32 @!p0 $0x108  }
0x21: {  	s3 =	sadd.s32 s3, s9;
	s6 =	sadd.s32 @!p0 $0x88, s6;
	s7 =	simm.s32 @p2 $0x1082  }
0x22: {  	[simem:s7], [sflag:s8] =	dma.local @!p0 [hbm:s6], $0xF7A  }
0x23: {  	s9 =	sor.u32 $0xD0000000, s2;
	s6 =	simm.s32 $0x108;
	_ =	swait.ge @!p0 [sflag:s8], $0x0  }
0x24: {  	s3 =	sadd.s32 $0x88, s3;
	s6 =	simm.s32 @!p1 $0x1082;
	[sflag:s4] =	ssyncset.s32 $0xFFFFF086  }
0x25: {  	[simem:s6], [sflag:s4] =	dma.local [hbm:s3], $0xF7A  }
0x26: {  	[smem:$0x3F9E] =	sst s1;
	(tag) =	ssettag s2;
	_ =	strace s9  }
0x27: {  	s1 =	sld [smem:$0x3FAE]  }
0x28: {  	s2 =	sld [smem:$0x3FAF]  }
0x29: {  	s4 =	sld [smem:$0x3FB1]  }
0x2a: {  	p0 =	seq.s32 s5, $0x0;
	s5 =	sld [smem:$0x3FB2]  }
0x2b: {  	s6 =	sld [smem:$0x3FB3]  }
0x2c: {  	s7 =	sld [smem:$0x3FB4]  }
0x2d: {  	s3 =	simm.s32 $0x108;
	s8 =	sld [smem:$0x3FB5]  }
0x2e: {  	s3 =	simm.s32 @!p0 $0x1082;
	s9 =	sld [smem:$0x3FB6]  }
0x2f: {  	lr =	sadd.s32 s0, s3;
	s0 =	sld [smem:$0x3FAD]  }
0x30: {  	s3 =	sld [smem:$0x3FB0]  }
0x31: {  	[smem:$0x3FB9] =	sst s10  }
0x32: {  	s10 =	sld [smem:$0x3FB7];
	_ =	sdelay $0x3  }
0x33: {  	p0 =	seq.s32 s10, $0x1;
	s10 =	sld [smem:$0x3FB9];
	_ =	sdelay $0x3  }
0x34: {  	[smem:$0x3FB9] =	sst s10  }
0x35: {  	s10 =	sld [smem:$0x3FB8];
	_ =	sdelay $0x3  }
0x36: {  	p1 =	seq.s32 s10, $0x1;
	s10 =	sld [smem:$0x3FB9];
	_ =	sdelay $0x3  }
0x37: {  	[smem:$0x3FB9] =	sst s10  }
0x38: {  	s10 =	sld [smem:$0x3FBA]  }
0x39: {  	_ = 	snop;
	(pc) =	sbr.ind lr, $3  }
0x3a: {  	_ = 	snop  }
0x3b: {  	_ = 	snop  }
0x3c: {  	p2 =	seq.s32 s10, $0x1;
	s10 =	sld [smem:$0x3FB9]  }
0x3d: {  	_ =	shalt  }
0x3e: {  	_ =	shalt  }
0x3f: {  	_ =	shalt  }
0x40: {  	_ =	shalt  }
0x41: {  	_ =	shalt  }
0x42: {  	_ =	shalt  }
0x43: {  	_ =	shalt  }
0x44: {  	_ =	shalt  }
0x45: {  	_ =	shalt  }
0x46: {  	_ =	shalt  }
0x47: {  	_ =	shalt  }
0x48: {  	_ =	shalt  }
0x49: {  	_ =	shalt  }
0x4a: {  	_ =	shalt  }
0x4b: {  	_ =	shalt  }
0x4c: {  	_ =	shalt  }
0x4d: {  	_ =	shalt  }
0x4e: {  	_ =	shalt  }
0x4f: {  	_ =	shalt  }
0x50: {  	_ =	shalt  }
0x51: {  	_ =	shalt  }
0x52: {  	_ =	shalt  }
0x53: {  	_ =	shalt  }
0x54: {  	_ =	shalt  }
0x55: {  	_ =	shalt  }
0x56: {  	_ =	shalt  }
0x57: {  	_ =	shalt  }
0x58: {  	_ =	shalt  }
0x59: {  	_ =	shalt  }
0x5a: {  	_ =	shalt  }
0x5b: {  	_ =	shalt  }
0x5c: {  	_ =	shalt  }
0x5d: {  	_ =	shalt  }
0x5e: {  	_ =	shalt  }
0x5f: {  	_ =	shalt  }
0x60: {  	_ =	shalt  }
0x61: {  	_ =	shalt  }
0x62: {  	_ =	shalt  }
0x63: {  	_ =	shalt  }
0x64: {  	_ =	shalt  }
0x65: {  	_ =	shalt  }
0x66: {  	_ =	shalt  }
0x67: {  	_ =	shalt  }
0x68: {  	_ =	shalt  }
0x69: {  	_ =	shalt  }
0x6a: {  	_ =	shalt  }
0x6b: {  	_ =	shalt  }
0x6c: {  	_ =	shalt  }
0x6d: {  	_ =	shalt  }
0x6e: {  	_ =	shalt  }
0x6f: {  	_ =	shalt  }
0x70: {  	_ =	shalt  }
0x71: {  	_ =	shalt  }
0x72: {  	_ =	shalt  }
0x73: {  	_ =	shalt  }
0x74: {  	_ =	shalt  }
0x75: {  	_ =	shalt  }
0x76: {  	_ =	shalt  }
0x77: {  	_ =	shalt  }
0x78: {  	_ =	shalt  }
0x79: {  	_ =	shalt  }
0x7a: {  	_ =	shalt  }
0x7b: {  	_ =	shalt  }
0x7c: {  	_ =	shalt  }
0x7d: {  	_ =	shalt  }
0x7e: {  	_ =	shalt  }
0x7f: {  	_ =	shalt  }
0x80: {  	_ =	shalt  }
0x81: {  	_ =	shalt  }
0x82: {  	_ =	shalt  }
0x83: {  	_ =	shalt  }
0x84: {  	_ =	shalt  }
0x85: {  	_ =	shalt  }
0x86: {  	_ =	shalt  }
0x87: {  	_ =	shalt  }
.Lfunc_end0:
.L_simem_size_0:
called_computation.1_lowered:
.L_overlay_start_0:
0x88: {  	s2 =	sld [smem:$0x3FD9]  }
0x89: {  	s3 =	sld [smem:$0x3FFE];
	_ =	sdelay $0x1  }
0x8a: {  	s1 =	srdreg.scid  }
0x8b: {  	s0 =	sand.u32 $0x1, s1  }
0x8c: {  	s17 =	sshll.u32 s0, $0xA;
	s2 =	sadd.s32 s3, s2  }
0x8d: {  	s2 =	sadd.s32 s2, s17  }
0x8e: {  	[smem:$0x3FC5] =	sst s2  }
0x8f: {  	_ = 	snop  }
0x90: {  	s2 =	sld [smem:$0x3FC8]  }
0x91: {  	s18 =	sld [smem:$0x3FD0];
	(tm) =	ssettm $0x1  }
0x92: {  	s4 =	sld [smem:$0x3FFB];
	_ =	sdelay $0x3  }
0x93: {  	_ =	strace s4  }
0x94: {  	s4 =	sld [smem:$0x3FFC];
	_ =	sdelay $0x3  }
0x95: {  	_ =	strace s4  }
0x96: {  	s4 =	sld [smem:$0x3FFD];
	_ =	sdelay $0x3  }
0x97: {  	_ =	strace s4  }
0x98: {  	_ =	strace $0x8FFFFFFF  }
0x99: {  	s19 =	sld [smem:$0x3FDB];
	_ =	sdelay $0x1  }
0x9a: {  	s5 =	simm.s32 $_scs_section_size  }
0x9b: {  	s6 =	simm.s32 $_size__tile_overlayer_lowered;
	s7 =	simm.s32 $_tile_overlayer_lowered  }
0x9c: {  	s22 =	simm.s32 $0x1BFF;
	s21 =	sshll.u32 s7, $0x1;
	s4 =	sadd.s32 s5, s19  }
0x9d: {  	s8 =	simm.s32 $0x0;
	s20 =	sshll.u32 s6, $0x1;
	s6 =	sadd.s32 s21, s4  }
0x9e: {  	[timem:s8], [sflag:s22] =	dma.local [hbm:s6], s20  }
0x9f: {  	_ =	swait.ge [sflag:s22], s20  }
0xa0: {  	s5 =	ssub.s32 $0x0, s20;
	[sflag:s22] =	ssyncset.done $0x0  }
0xa1: {  	[sflag:s22] =	ssyncadd.s32 s5;
	_ =	sdelay $0x1  }
0xa2: {  	s23 =	simm.s32 $0x1B8B  }
0xa3: {  	_ =	swait.ge [sflag:s23], $0x1  }
0xa4: {  	[sflag:s23] =	ssyncset.done $0x0  }
0xa5: {  	s25 =	simm.s32 $0x1B8E;
	s24 =	sld [smem:$0x3FFE];
	[sflag:s23] =	ssyncadd.s32 $0xFFFFFFFF  }
0xa6: {  	s26 =	simm.s32 $execute0_lowered;
	[smem:$0x3FD2] =	sst s25  }
0xa7: {  	s6 =	sshll.u32 s26, $0x1;
	_ =	strace $0x80000046;
	[dreg:$0x1] =	wrdreg $0xFFFFFFFF  }
0xa8: {  	s28 =	simm.s32 $_size_execute0_lowered;
	s4 =	sadd.s32 s4, s6;
	[dreg:$0x0] =	wrdreg $0x0  }
0xa9: {  	s6 =	sshll.u32 s28, $0x1;
	[dreg:$0x2] =	wrdreg s4  }
0xaa: {  	[dreg:$0x3] =	wrdreg s6  }
0xab: {  	[dreg:$0x4] =	wrdreg $0xC0  }
0xac: {  	_ =	task [dreg:s8], $0x5FFFF  }
0xad: {  	[dreg:$0x1] =	wrdreg $0xFFFFFFFF  }
0xae: {  	[dreg:$0x0] =	wrdreg $0x60  }
0xaf: {  	[dreg:$0x2] =	wrdreg s2  }
0xb0: {  	[dreg:$0x3] =	wrdreg s18  }
0xb1: {  	[dreg:$0x4] =	wrdreg s24  }
0xb2: {  	[dreg:$0x5] =	wrdreg $0xA  }
0xb3: {  	_ =	task.clear_ibuf [dreg:s8], $0x6FFFF;
	_ =	strace $0x90000046  }
0xb4: {  	s29 =	simm.s32 $0xA;
	_ =	strace $0x80000048  }
0xb5: {  	_ =	swait.ge [sflag:s29], $0x1  }
0xb6: {  	[sflag:s29] =	ssyncadd.s32 $0xFFFFFFFF  }
0xb7: {  	_ =	strace $0x90000048  }
0xb8: {  	_ =	sfence  }
0xb9: {  	s30 =	sld [smem:$0x0];
	_ =	sdelay $0x2  }
0xba: {  	s31 =	sshll.u32 s1, $0xD;
	s1 =	sshrl.u32 s1, $0x2  }
0xbb: {  	s3 =	sand.u32 $0x4000, s31;
	s1 =	sadd.s32 s1, s30  }
0xbc: {  	s0 =	sor.u32 s3, s0;
	s1 =	sshll.u32 s1, $0x11  }
0xbd: {  	s0 =	sor.u32 s1, s0  }
0xbe: {  	s0 =	sadd.s32 $0x8F2B, s0  }
0xbf: {  	[sflag:s0] =	ssyncadd.remote.s32 $0x1  }
0xc0: {  	_ =	sfence.sel $0xFFFF  }
0xc1: {  	[dreg:$0x0] =	wrdreg $0xFFFFFFFF;
	(pc) =	sbr.abs _section_cstart, $3  }
0xc2: {  	[dreg:$0x1] =	wrdreg $0xFFFFFFFF  }
0xc3: {  	_ =	task.clear_ibuf [dreg:s8], $0x2FFFF;
	_ =	strace $0x9FFFFFFF  }
0xc4: {  	(tm) =	ssettm $0x7FFFFFFF  }
0xc5: {  	_ =	shalt  }
tec
execute0_lowered:
.L_overlay_start_1:
0x0: {  	(tag) =	ssettag $0x1  }
0x1: {  	s2 =	rddreg [dreg:$0x0]  }
0x2: {  	s1 =	srdreg.scid;
	s3 =	rddreg [dreg:$0x1]  }
0x3: {  	s0 =	stileid.u32;
	s5 =	rddreg [dreg:$0x2]  }
0x4: {  	s9 =	simm.s32 $0x1;
	s10 =	simm.s32 $0x3;
	s1 =	sshll.u32 s1, $0x7  }
0x5: {  	s13 =	simm.s32 $0x0;
	s4 =	sshll.u32 s0, $0x8;
	s6 =	sand.u32 $0x80, s1  }
0x6: {  	s12 =	simm.s32 $0x0;
	s5 =	sadd.s32 $0x20000, s5;
	s4 =	sor.u32 s4, s6  }
0x7: {  	s1 =	rddreg [dreg:$0x3];
	_ =	strace $0x80000047;
	s8 =	ssub.s32 $0x2F00, s4  }
.Ltmp0:
0x8: {  	s6 =	simm.s32 $0x1;
	s7 =	sand.u32 $0xF80, s8;
	(pc) =	sbr.rel .LBB2_1-.Ltmp0, $4  }
0x9: {  	[sflag:s6] =	ssyncpa.u1 $0x0;
	s11 =	smov.u32 s4;
	p0 =	sne.s32 s7, $0x0  }
0xa: {  	s8 =	sshrl.u32 s8, $0xC;
	s7 =	simm.s32 $0x2;
	s9 =	simm.s32 @!p0 $0x0  }
0xb: {  	[sflag:s7] =	ssyncpa.u1 $0x0;
	p0 =	por $0x0, $0x0;
	s8 =	sadd.s32 s9, s8  }
0xc: {  	vm0 =	vmmov $0xffff;
	v0 =	vimm.s32 $0x0;
	v1 =	vlaneseq.u32;
	[sflag:s10] =	ssyncpa.u1 $0x0;
	s10 =	simm.s32 $0x0;
	s9 =	sadd.s32 $0x1, s8  }
.LBB2_4:
0xd: {  	_ =	sdelay $0x3  }
0xe: {  	[tilespmem:s21], [sflag:$0x1] =	stream.indirect_vreg.gather [hbm4b:s2+s10], $0x1, v2, vm0, $0x4038;
	[tilespmem:$0x500] =	vst v63  }
0xf: {  	s15 =	sadd.s32 s17, s15  }
0x10: {  	v2 =	vld.msk [tilespmem:s15+$0x0 ss:$0x1], $0xffff;
	_ =	sdelay $0x4  }
0x11: {  	v3 =	vshrl.u32 v2, $0x1  }
0x12: {  	v4 =	vand.u32 $0x1, v2;
	vm1 =	veq.s32 v2, $0x80000000;
	v2 =	vand.u32 $0x3FFFF, v3  }
0x13: {  	p1 =	sgt.s32 s18, $0x0;
	vm2 =	veq.s32 v4, $0x1;
	v2 =	vsel vm1, $0xFFFFFFFF, v2  }
0x14: {  	s18 =	simm.s32 @!p1 $0x0;
	v3 =	vsel vm2, $0xFFC00, v0;
	v61 =	vshll.u32 v2, $0x2  }
0x15: {  	s26 =	smin.u32 s18, $0x10;
	v3 =	vsel vm1, $0xFFF00400, v3;
	v4 =	vand.u32 $0xFFFFFE00, v61  }
0x16: {  	v62 =	vmov s26;
	v2 =	vand.u32 $0x7F, v2;
	v3 =	vadd.s32 v3, v4  }
0x17: {  	vm1 =	vgt.u32 v62, v1;
	v2 =	vor.u32 v2, v3  }
0x18: {  	v3 =	vnsel vm1, $0x7FFFFFFF, v2;
	_ =	sdelay $0x1  }
0x19: {  	v63 =	vor.u32 $0x80, v2  }
0x1a: {  	(ifvalue) =	ssetifvalue $0x7FFFFFFF;
	v4 =	vnsel vm1, $0x7FFFFFFF, v63  }
0x1b: {  	s28 =	sadd.s32 s17, s16;
	(ifvalue) =	ssetifvalue $0x7FFFFFFF  }
0x1c: {  	v5 =	vor.u32 $0x100, v2;
	[tilespmem:s28], [sflag:$0x1] =	stream.indirect_vreg.gather [hbm4b:s2+s10], $0x1, v3, vm0, $0x4038;
	[tilespmem:$0x500] =	vst v63  }
0x1d: {  	(ifvalue) =	ssetifvalue $0x7FFFFFFF;
	v3 =	vnsel vm1, $0x7FFFFFFF, v5  }
0x1e: {  	s16 =	sadd.s32 $0x80, s28;
	(ifvalue) =	ssetifvalue $0x7FFFFFFF  }
0x1f: {  	v2 =	vor.u32 $0x180, v2;
	[tilespmem:s16], [sflag:$0x1] =	stream.indirect_vreg.gather [hbm4b:s2+s10], $0x1, v4, vm0, $0x4038;
	[tilespmem:$0x500] =	vst v63  }
0x20: {  	v2 =	vnsel vm1, $0x7FFFFFFF, v2;
	(ifvalue) =	ssetifvalue $0x7FFFFFFF  }
0x21: {  	s29 =	sadd.s32 $0x100, s28;
	(ifvalue) =	ssetifvalue $0x7FFFFFFF  }
0x22: {  	[tilespmem:s29], [sflag:$0x1] =	stream.indirect_vreg.gather [hbm4b:s2+s10], $0x1, v3, vm0, $0x4038;
	[tilespmem:$0x500] =	vst v63  }
0x23: {  	(ifvalue) =	ssetifvalue $0x7FFFFFFF  }
0x24: {  	s30 =	sshll.u32 s13, $0x2;
	s15 =	sadd.s32 $0x180, s28;
	(ifvalue) =	ssetifvalue $0x7FFFFFFF  }
0x25: {  	[tilespmem:s15], [sflag:$0x1] =	stream.indirect_vreg.gather [hbm4b:s2+s10], $0x1, v2, vm0, $0x4038;
	[tilespmem:$0x500] =	vst v63  }
0x26: {  	s31 =	sand.u32 $0x78, s13;
	s15 =	sand.u32 $0xFFFFFE00, s30  }
0x27: {  	_ =	swait.ge [sflag:s6], $0x200;
	s13 =	sor.u32 s31, s15  }
0x28: {  	[sflag:s6] =	ssyncset.done $0x0;
	s13 =	sshrl.u32 s13, $0x3  }
0x29: {  	[sflag:s6] =	ssyncadd.s32 $0xFFFFFE00;
	s13 =	sadd.s32 s5, s13  }
0x2a: {  	[hbm:s13] =	stream.linear.scatter [tilespmem:s14], [sflag:$0x3], $0x200, $0x38;
	[tilespmem:$0x500] =	vst v63  }
.LBB2_5:
0x2b: {  	s15 =	sadd.s32 $0x1000, s11  }
0x2c: {  	p2 =	sgt.s32 s15, $0x2EFF  }
0x2d: {  	s15 =	smov.u32 @p2 s4;
	p2 =	sne.s32 s12, s9  }
.Ltmp1:
0x2e: {  	p1 =	slt.u32 s12, $0x2;
	(pc) =	sbr.rel @!p2 .LBB2_6-.Ltmp1, $4  }
0x2f: {  	s14 =	simm.s32 @!p1 $0x3  }
0x30: {  	s16 =	sadd.s32 $0x1, s12;
	_ =	swait.ge @!p1 [sflag:s14], $0x200  }
0x31: {  	s13 =	smov.u32 s11;
	p0 =	por !p0, !p0;
	[sflag:s14] =	ssyncset.done @!p1 $0x0  }
0x32: {  	s12 =	smov.u32 s16;
	s11 =	smov.u32 s15;
	[sflag:s14] =	ssyncadd.s32 @!p1 $0xFFFFFE00  }
.LBB2_1:
0x33: {  	p1 =	sge.u32 s12, s8  }
0x34: {  	s14 =	sxor.u32 @!p1 $0xFFFFFFFF, s12  }
0x35: {  	s31 =	sadd.s32 $0xFFFFFFFF, s12;
	s15 =	sshrl.u32 @!p1 s11, $0x3;
	s14 =	sshll.u32 @!p1 s14, $0x7  }
0x36: {  	s16 =	sand.u32 @!p1 $0x7, s11;
	s15 =	sadd.s32 @!p1 s3, s15;
	s14 =	sand.u32 @!p1 $0x80, s14  }
0x37: {  	[tilespmem:s14], [sflag:$0x2] =	stream.linear.gather @!p1 [hbm4b:s15+s16], $0x80, $0x38;
	[tilespmem:$0x500] =	vst v63  }
0x38: {  	p1 =	sge.u32 s31, s8  }
.Ltmp2:
0x39: {  	_ = 	snop;
	(pc) =	sbr.rel @p1 .LBB2_5-.Ltmp2, $1  }
0x3a: {  	_ =	sdelay $0x3  }
0x3b: {  	s14 =	simm.s32 $0x1  }
0x3c: {  	_ =	swait.ge [sflag:s7], $0x80;
	s14 =	simm.s32 @!p0 $0x0  }
0x3d: {  	[sflag:s7] =	ssyncset.done $0x0;
	s15 =	sshll.u32 s14, $0x7  }
0x3e: {  	[sflag:s7] =	ssyncadd.s32 $0xFFFFFF80;
	s16 =	sadd.s32 $0x0, s15  }
0x3f: {  	v2 =	vld.msk [tilespmem:s16+$0x0 ss:$0x1], $0xffff;
	_ =	sdelay $0x3  }
0x40: {  	s18 =	ssub.s32 $0x2EE0, s13  }
0x41: {  	p1 =	slt.s32 s18, $0x80;
	v3 =	vshrl.u32 v2, $0x1  }
0x42: {  	s18 =	simm.s32 @!p1 $0x80;
	v4 =	vand.u32 $0x1, v2;
	vm1 =	veq.s32 v2, $0x80000000;
	v2 =	vand.u32 $0x3FFFF, v3  }
0x43: {  	p1 =	sgt.s32 s18, $0x0;
	s16 =	smov.u32 s18;
	vm2 =	veq.s32 v4, $0x1;
	v2 =	vsel vm1, $0xFFFFFFFF, v2  }
0x44: {  	s16 =	simm.s32 @!p1 $0x0;
	v3 =	vsel vm2, $0xFFC00, v0;
	v61 =	vshll.u32 v2, $0x2  }
0x45: {  	s16 =	smin.u32 s16, $0x10;
	v3 =	vsel vm1, $0xFFF00400, v3;
	v4 =	vand.u32 $0xFFFFFE00, v61  }
0x46: {  	v62 =	vmov s16;
	v2 =	vand.u32 $0x7F, v2;
	v3 =	vadd.s32 v3, v4  }
0x47: {  	vm1 =	vgt.u32 v62, v1;
	v2 =	vor.u32 v2, v3  }
0x48: {  	v3 =	vnsel vm1, $0x7FFFFFFF, v2;
	_ =	sdelay $0x1  }
0x49: {  	s14 =	sshll.u32 s14, $0x9;
	v63 =	vor.u32 $0x80, v2  }
0x4a: {  	(ifvalue) =	ssetifvalue $0x7FFFFFFF;
	s16 =	sor.u32 $0x100, s14;
	v4 =	vnsel vm1, $0x7FFFFFFF, v63  }
0x4b: {  	(ifvalue) =	ssetifvalue $0x7FFFFFFF;
	s19 =	sadd.s32 $0x0, s16  }
0x4c: {  	v5 =	vor.u32 $0x100, v2;
	[tilespmem:s19], [sflag:$0x1] =	stream.indirect_vreg.gather [hbm4b:s2+s10], $0x1, v3, vm0, $0x4038;
	[tilespmem:$0x500] =	vst v63  }
0x4d: {  	(ifvalue) =	ssetifvalue $0x7FFFFFFF;
	v3 =	vnsel vm1, $0x7FFFFFFF, v5  }
0x4e: {  	s17 =	sadd.s32 $0x80, s19;
	(ifvalue) =	ssetifvalue $0x7FFFFFFF  }
0x4f: {  	v2 =	vor.u32 $0x180, v2;
	[tilespmem:s17], [sflag:$0x1] =	stream.indirect_vreg.gather [hbm4b:s2+s10], $0x1, v4, vm0, $0x4038;
	[tilespmem:$0x500] =	vst v63  }
0x50: {  	s30 =	sshll.u32 s12, $0x9;
	s20 =	simm.s32 $0x80;
	v2 =	vnsel vm1, $0x7FFFFFFF, v2;
	(ifvalue) =	ssetifvalue $0x7FFFFFFF  }
0x51: {  	s14 =	sand.u32 $0x200, s30;
	s31 =	sadd.s32 $0x100, s19;
	(ifvalue) =	ssetifvalue $0x7FFFFFFF  }
0x52: {  	[tilespmem:s31], [sflag:$0x1] =	stream.indirect_vreg.gather [hbm4b:s2+s10], $0x1, v3, vm0, $0x4038;
	[tilespmem:$0x500] =	vst v63  }
0x53: {  	s18 =	sadd.s32 $0xFFFFFFF0, s18;
	s14 =	sor.u32 $0x100, s14;
	(ifvalue) =	ssetifvalue $0x7FFFFFFF  }
0x54: {  	s21 =	sadd.s32 $0x180, s19;
	s17 =	simm.s32 $0x10;
	(ifvalue) =	ssetifvalue $0x7FFFFFFF  }
.LBB2_3:
0x55: {  	[tilespmem:s21], [sflag:$0x1] =	stream.indirect_vreg.gather [hbm4b:s2+s10], $0x1, v2, vm0, $0x4038;
	[tilespmem:$0x500] =	vst v63  }
0x56: {  	s19 =	smov.u32 s20  }
0x57: {  	s22 =	sadd.s32 s17, s15;
	s21 =	sshra.s32 s19, $0x2;
	s19 =	sadd.s32 $0x40, s20  }
0x58: {  	p1 =	sne.s32 s20, $0x1C0;
	v2 =	vld.msk [tilespmem:s22+$0x0 ss:$0x1], $0xffff  }
0x59: {  	(ifvalue) =	ssetifvalue $0x7FFFFFFF;
	_ =	sdelay $0x4  }
0x5a: {  	v3 =	vshrl.u32 v2, $0x1;
	v4 =	vand.u32 $0x1, v2  }
0x5b: {  	vm1 =	veq.s32 v2, $0x80000000;
	v2 =	vand.u32 $0x3FFFF, v3;
	vm2 =	veq.s32 v4, $0x1  }
0x5c: {  	p2 =	sgt.s32 s18, $0x0;
	s20 =	smov.u32 s18;
	v2 =	vsel vm1, $0xFFFFFFFF, v2;
	v3 =	vsel vm2, $0xFFC00, v0  }
0x5d: {  	s20 =	simm.s32 @!p2 $0x0;
	v3 =	vsel vm1, $0xFFF00400, v3;
	v4 =	vshll.u32 v2, $0x2  }
0x5e: {  	s20 =	smin.u32 s20, $0x10;
	v4 =	vand.u32 $0xFFFFFE00, v4  }
0x5f: {  	v2 =	vand.u32 $0x7F, v2;
	v3 =	vadd.s32 v3, v4;
	v4 =	vmov s20  }
0x60: {  	v2 =	vor.u32 v2, v3;
	vm1 =	vgt.u32 v4, v1  }
0x61: {  	v3 =	vnsel vm1, $0x7FFFFFFF, v2;
	v4 =	vor.u32 $0x80, v2;
	v5 =	vor.u32 $0x100, v2  }
0x62: {  	v2 =	vor.u32 $0x180, v2;
	_ =	sdelay $0x1  }
0x63: {  	v4 =	vnsel vm1, $0x7FFFFFFF, v4  }
0x64: {  	s20 =	sadd.s32 s17, s16;
	s17 =	smov.u32 s21;
	(ifvalue) =	ssetifvalue $0x7FFFFFFF  }
0x65: {  	[tilespmem:s20], [sflag:$0x1] =	stream.indirect_vreg.gather [hbm4b:s2+s10], $0x1, v3, vm0, $0x4038;
	[tilespmem:$0x500] =	vst v63  }
0x66: {  	v3 =	vnsel vm1, $0x7FFFFFFF, v5;
	(ifvalue) =	ssetifvalue $0x7FFFFFFF  }
0x67: {  	s21 =	sadd.s32 $0x80, s20;
	(ifvalue) =	ssetifvalue $0x7FFFFFFF  }
0x68: {  	[tilespmem:s21], [sflag:$0x1] =	stream.indirect_vreg.gather [hbm4b:s2+s10], $0x1, v4, vm0, $0x4038;
	[tilespmem:$0x500] =	vst v63  }
.Ltmp3:
0x69: {  	v2 =	vnsel vm1, $0x7FFFFFFF, v2;
	(ifvalue) =	ssetifvalue $0x7FFFFFFF;
	(pc) =	sbr.rel @p1 .LBB2_3-.Ltmp3, $4  }
0x6a: {  	s21 =	sadd.s32 $0x100, s20;
	(ifvalue) =	ssetifvalue $0x7FFFFFFF  }
0x6b: {  	[tilespmem:s21], [sflag:$0x1] =	stream.indirect_vreg.gather [hbm4b:s2+s10], $0x1, v3, vm0, $0x4038;
	[tilespmem:$0x500] =	vst v63  }
0x6c: {  	s18 =	sadd.s32 $0xFFFFFFF0, s18;
	(ifvalue) =	ssetifvalue $0x7FFFFFFF  }
0x6d: {  	s21 =	sadd.s32 $0x180, s20;
	s20 =	smov.u32 s19;
	(ifvalue) =	ssetifvalue $0x7FFFFFFF  }
.Ltmp4:
0x6e: {  	_ = 	snop;
	(pc) =	sbr.rel .LBB2_4-.Ltmp4, $1  }
0x6f: {  	_ =	sdelay $0x3  }
.LBB2_6:
0x70: {  	_ =	sfence.sel $0x180000  }
0x71: {  	s2 =	simm.s32 $0x2;
	[bflag:$0x0] =	sbarrier.arrive $0xFFFF  }
0x72: {  	s30 =	simm.s32 $0x3;
	[sflag:s2] =	ssyncpa.u1 $0x1  }
0x73: {  	s31 =	simm.s32 $0x1;
	[sflag:s30] =	ssyncpa.u1 $0x1  }
0x74: {  	[sflag:s31] =	ssyncpa.u1 $0x1  }
0x75: {  	p0 =	sne.s32 s0, $0x0;
	_ =	strace $0x90000047  }
0x76: {  	s0 =	sadd.s32 @!p0 $0x100000, s1;
	[bflag:$0x2] =	sbarrier.arrive $0xFFFF  }
0x77: {  	[sflag:s0] =	ssyncadd.tile.s32 @!p0 $0x1;
	_ =	shalt  }
.Lfunc_end2:
_tile_overlayer_lowered:
.L_overlay_start_2:
0x78: {  	(tag) =	ssettag $0x2  }
0x79: {  	s0 =	rddreg [dreg:$0x0];
	s2 =	stileid.u32  }
0x7a: {  	s1 =	rddreg [dreg:$0x1];
	p0 =	sne.s32 s2, $0x0  }
0x7b: {  	s3 =	rddreg [dreg:$0x2];
	[bflag:$0x3] =	sbarrier.arrive $0xFFFF;
	s2 =	simm.s32 @!p0 $0x1C01  }
0x7c: {  	[timem:s3], [sflag:s2] =	dma.local @!p0 [hbm:s0], s1  }
0x7d: {  	s0 =	simm.s32 @!p0 $0x1  }
0x7e: {  	_ =	swait.ge @!p0 [sflag:s0], s1  }
0x7f: {  	s1 =	ssub.s32 @!p0 $0x0, s1;
	[sflag:s0] =	ssyncset.done @!p0 $0x0  }
0x80: {  	[sflag:s0] =	ssyncadd.s32 @!p0 s1  }
0x81: {  	[bflag:$0x3] =	sbarrier.arrive $0xFFFF  }
0x82: {  	_ =	shalt  }

// kernel: gather_offload_async_start
scs
__scs_entry_jumppad:
0x0: {  	(pc) =	sbr.rel $0x88, $3  }
0x1: {  	(tag) =	ssettag $0x0;
	lr =	simm.s32 $0x1  }
0x2: {  	[smem:$0x3F9E] =	sst lr;
	_ =	strace $0xD0000000  }
0x3: {  	_ = 	snop  }
0x4: {  	_ = 	snop  }
0x5: {  	_ = 	snop  }
0x6: {  	_ = 	snop  }
0x7: {  	_ = 	snop  }
__scs_overlays_trampoline_lowered:
0x8: {  	[smem:$0x3FAD] =	sst s0  }
0x9: {  	[smem:$0x3FAE] =	sst s1  }
0xa: {  	[smem:$0x3FAF] =	sst s2  }
0xb: {  	[smem:$0x3FB0] =	sst s3  }
0xc: {  	[smem:$0x3FB1] =	sst s4  }
0xd: {  	[smem:$0x3FB2] =	sst s5  }
0xe: {  	[smem:$0x3FB3] =	sst s6  }
0xf: {  	[smem:$0x3FB4] =	sst s7  }
0x10: {  	[smem:$0x3FB5] =	sst s8  }
0x11: {  	[smem:$0x3FB6] =	sst s9;
	s0 =	simm.s32 @!p0 $0x0  }
0x12: {  	s1 =	sld [smem:$0x3F9C];
	s0 =	simm.s32 @p0 $0x1  }
0x13: {  	[smem:$0x3FB7] =	sst s0;
	s0 =	simm.s32 @!p1 $0x0  }
0x14: {  	s2 =	sld [smem:$0x3F9B];
	s0 =	simm.s32 @p1 $0x1  }
0x15: {  	[smem:$0x3FB8] =	sst s0;
	s0 =	simm.s32 @!p2 $0x0  }
0x16: {  	s3 =	sld [smem:$0x3FDB];
	s0 =	simm.s32 @p2 $0x1  }
0x17: {  	s4 =	simm.s32 $0x1BF5;
	[smem:$0x3FBA] =	sst s0  }
0x18: {  	s0 =	sld [smem:$0x3F9D];
	_ =	swait.ge [sflag:s4], $0x0  }
0x19: {  	s7 =	sld [smem:$0x3F9E]  }
0x1a: {  	s8 =	sadd.s32 $0xFFFFE003, lr  }
0x1b: {  	s9 =	sadd.s32 $0xFFFFFEF7, lr;
	s5 =	simm.s32 $0xFFFFFFFF;
	p2 =	slt.u32 s8, $0xFFFFF086  }
0x1c: {  	p1 =	slt.u32 s9, $0xF7A;
	s5 =	simm.s32 @!p2 $0x0  }
0x1d: {  	s5 =	simm.s32 @p1 $0x1;
	p0 =	seq.s32 s7, s2  }
0x1e: {  	s7 =	smul.u32 @!p0 $0xF7A, s2;
	p2 =	seq.s32 @!p0 s5, $0x0  }
0x1f: {  	s9 =	smul.u32 $0xF7A, s1;
	s8 =	simm.s32 @!p0 $0x1BF5;
	p2 =	por !p2, p0  }
0x20: {  	[sflag:s8] =	ssyncset.s32 @!p0 $0xFFFFF086;
	s6 =	sadd.s32 @!p0 s3, s7;
	s7 =	simm.s32 @!p0 $0x108  }
0x21: {  	s3 =	sadd.s32 s3, s9;
	s6 =	sadd.s32 @!p0 $0x88, s6;
	s7 =	simm.s32 @p2 $0x1082  }
0x22: {  	[simem:s7], [sflag:s8] =	dma.local @!p0 [hbm:s6], $0xF7A  }
0x23: {  	s9 =	sor.u32 $0xD0000000, s2;
	s6 =	simm.s32 $0x108;
	_ =	swait.ge @!p0 [sflag:s8], $0x0  }
0x24: {  	s3 =	sadd.s32 $0x88, s3;
	s6 =	simm.s32 @!p1 $0x1082;
	[sflag:s4] =	ssyncset.s32 $0xFFFFF086  }
0x25: {  	[simem:s6], [sflag:s4] =	dma.local [hbm:s3], $0xF7A  }
0x26: {  	[smem:$0x3F9E] =	sst s1;
	(tag) =	ssettag s2;
	_ =	strace s9  }
0x27: {  	s1 =	sld [smem:$0x3FAE]  }
0x28: {  	s2 =	sld [smem:$0x3FAF]  }
0x29: {  	s4 =	sld [smem:$0x3FB1]  }
0x2a: {  	p0 =	seq.s32 s5, $0x0;
	s5 =	sld [smem:$0x3FB2]  }
0x2b: {  	s6 =	sld [smem:$0x3FB3]  }
0x2c: {  	s7 =	sld [smem:$0x3FB4]  }
0x2d: {  	s3 =	simm.s32 $0x108;
	s8 =	sld [smem:$0x3FB5]  }
0x2e: {  	s3 =	simm.s32 @!p0 $0x1082;
	s9 =	sld [smem:$0x3FB6]  }
0x2f: {  	lr =	sadd.s32 s0, s3;
	s0 =	sld [smem:$0x3FAD]  }
0x30: {  	s3 =	sld [smem:$0x3FB0]  }
0x31: {  	[smem:$0x3FB9] =	sst s10  }
0x32: {  	s10 =	sld [smem:$0x3FB7];
	_ =	sdelay $0x3  }
0x33: {  	p0 =	seq.s32 s10, $0x1;
	s10 =	sld [smem:$0x3FB9];
	_ =	sdelay $0x3  }
0x34: {  	[smem:$0x3FB9] =	sst s10  }
0x35: {  	s10 =	sld [smem:$0x3FB8];
	_ =	sdelay $0x3  }
0x36: {  	p1 =	seq.s32 s10, $0x1;
	s10 =	sld [smem:$0x3FB9];
	_ =	sdelay $0x3  }
0x37: {  	[smem:$0x3FB9] =	sst s10  }
0x38: {  	s10 =	sld [smem:$0x3FBA]  }
0x39: {  	_ = 	snop;
	(pc) =	sbr.ind lr, $3  }
0x3a: {  	_ = 	snop  }
0x3b: {  	_ = 	snop  }
0x3c: {  	p2 =	seq.s32 s10, $0x1;
	s10 =	sld [smem:$0x3FB9]  }
0x3d: {  	_ =	shalt  }
0x3e: {  	_ =	shalt  }
0x3f: {  	_ =	shalt  }
0x40: {  	_ =	shalt  }
0x41: {  	_ =	shalt  }
0x42: {  	_ =	shalt  }
0x43: {  	_ =	shalt  }
0x44: {  	_ =	shalt  }
0x45: {  	_ =	shalt  }
0x46: {  	_ =	shalt  }
0x47: {  	_ =	shalt  }
0x48: {  	_ =	shalt  }
0x49: {  	_ =	shalt  }
0x4a: {  	_ =	shalt  }
0x4b: {  	_ =	shalt  }
0x4c: {  	_ =	shalt  }
0x4d: {  	_ =	shalt  }
0x4e: {  	_ =	shalt  }
0x4f: {  	_ =	shalt  }
0x50: {  	_ =	shalt  }
0x51: {  	_ =	shalt  }
0x52: {  	_ =	shalt  }
0x53: {  	_ =	shalt  }
0x54: {  	_ =	shalt  }
0x55: {  	_ =	shalt  }
0x56: {  	_ =	shalt  }
0x57: {  	_ =	shalt  }
0x58: {  	_ =	shalt  }
0x59: {  	_ =	shalt  }
0x5a: {  	_ =	shalt  }
0x5b: {  	_ =	shalt  }
0x5c: {  	_ =	shalt  }
0x5d: {  	_ =	shalt  }
0x5e: {  	_ =	shalt  }
0x5f: {  	_ =	shalt  }
0x60: {  	_ =	shalt  }
0x61: {  	_ =	shalt  }
0x62: {  	_ =	shalt  }
0x63: {  	_ =	shalt  }
0x64: {  	_ =	shalt  }
0x65: {  	_ =	shalt  }
0x66: {  	_ =	shalt  }
0x67: {  	_ =	shalt  }
0x68: {  	_ =	shalt  }
0x69: {  	_ =	shalt  }
0x6a: {  	_ =	shalt  }
0x6b: {  	_ =	shalt  }
0x6c: {  	_ =	shalt  }
0x6d: {  	_ =	shalt  }
0x6e: {  	_ =	shalt  }
0x6f: {  	_ =	shalt  }
0x70: {  	_ =	shalt  }
0x71: {  	_ =	shalt  }
0x72: {  	_ =	shalt  }
0x73: {  	_ =	shalt  }
0x74: {  	_ =	shalt  }
0x75: {  	_ =	shalt  }
0x76: {  	_ =	shalt  }
0x77: {  	_ =	shalt  }
0x78: {  	_ =	shalt  }
0x79: {  	_ =	shalt  }
0x7a: {  	_ =	shalt  }
0x7b: {  	_ =	shalt  }
0x7c: {  	_ =	shalt  }
0x7d: {  	_ =	shalt  }
0x7e: {  	_ =	shalt  }
0x7f: {  	_ =	shalt  }
0x80: {  	_ =	shalt  }
0x81: {  	_ =	shalt  }
0x82: {  	_ =	shalt  }
0x83: {  	_ =	shalt  }
0x84: {  	_ =	shalt  }
0x85: {  	_ =	shalt  }
0x86: {  	_ =	shalt  }
0x87: {  	_ =	shalt  }
.Lfunc_end0:
.L_simem_size_0:
called_computation_lowered:
.L_overlay_start_0:
0x88: {  	s2 =	sld [smem:$0x3FD9]  }
0x89: {  	s3 =	sld [smem:$0x3FFE];
	_ =	sdelay $0x1  }
0x8a: {  	s1 =	srdreg.scid  }
0x8b: {  	s0 =	sand.u32 $0x1, s1  }
0x8c: {  	s17 =	sshll.u32 s0, $0xA;
	s2 =	sadd.s32 s3, s2  }
0x8d: {  	s2 =	sadd.s32 s2, s17  }
0x8e: {  	[smem:$0x3FC5] =	sst s2  }
0x8f: {  	_ = 	snop  }
0x90: {  	s18 =	sld [smem:$0x3FC7]  }
0x91: {  	s4 =	sld [smem:$0x3FD0];
	(tm) =	ssettm $0x1  }
0x92: {  	s19 =	sld [smem:$0x3FFB];
	_ =	sdelay $0x3  }
0x93: {  	_ =	strace s19  }
0x94: {  	s2 =	sld [smem:$0x3FFC];
	_ =	sdelay $0x3  }
0x95: {  	_ =	strace s2  }
0x96: {  	s2 =	sld [smem:$0x3FFD];
	_ =	sdelay $0x3  }
0x97: {  	_ =	strace s2  }
0x98: {  	_ =	strace $0x8FFFFFFF  }
0x99: {  	s20 =	sld [smem:$0x3FDB];
	_ =	sdelay $0x1  }
0x9a: {  	s5 =	simm.s32 $_scs_section_size  }
0x9b: {  	s6 =	simm.s32 $_size__tile_overlayer_lowered;
	s7 =	simm.s32 $_tile_overlayer_lowered  }
0x9c: {  	s8 =	simm.s32 $0x1BFF;
	s21 =	sshll.u32 s7, $0x1;
	s5 =	sadd.s32 s5, s20  }
0x9d: {  	s22 =	simm.s32 $0x0;
	s6 =	sshll.u32 s6, $0x1;
	s7 =	sadd.s32 s21, s5  }
0x9e: {  	[timem:s22], [sflag:s8] =	dma.local [hbm:s7], s6  }
0x9f: {  	_ =	swait.ge [sflag:s8], s6  }
0xa0: {  	s6 =	ssub.s32 $0x0, s6;
	[sflag:s8] =	ssyncset.done $0x0  }
0xa1: {  	[sflag:s8] =	ssyncadd.s32 s6;
	_ =	sdelay $0x1  }
0xa2: {  	s23 =	simm.s32 $0x1B8B  }
0xa3: {  	_ =	swait.ge [sflag:s23], $0x1  }
0xa4: {  	[sflag:s23] =	ssyncset.done $0x0  }
0xa5: {  	[sflag:s23] =	ssyncadd.s32 $0xFFFFFFFF  }
0xa6: {  	s6 =	sld [smem:$0x0]  }
0xa7: {  	s7 =	sand.u32 $0xFFFFFFFE, s1  }
0xa8: {  	p0 =	sne.s32 s1, s7  }
0xa9: {  	s7 =	sshll.u32 @p0 s7, $0xE  }
0xaa: {  	s7 =	sadd.s32 @p0 $0x11B8D, s7;
	s8 =	sshll.u32 @p0 s6, $0x11  }
0xab: {  	s7 =	sor.u32 @p0 s8, s7  }
0xac: {  	[sflag:s7] =	ssyncadd.remote.s32 @p0 $0x1;
	_ =	sdelay $0x1  }
0xad: {  	s7 =	simm.s32 @p0 $0x1B8D  }
0xae: {  	_ =	swait.eq @p0 [sflag:s7], $0x1  }
0xaf: {  	[sflag:s7] =	ssyncadd.s32 @p0 $0xFFFFFFFF  }
0xb0: {  	s8 =	sshll.u32 @!p0 s1, $0xE  }
0xb1: {  	s8 =	sor.u32 @!p0 $0x4000, s8;
	s7 =	simm.s32 @!p0 $0x1B8D  }
0xb2: {  	s6 =	sshll.u32 @!p0 s6, $0x11;
	s8 =	sadd.s32 @!p0 $0x11B8D, s8;
	_ =	swait.eq @!p0 [sflag:s7], $0x1  }
0xb3: {  	s6 =	sor.u32 @!p0 s6, s8;
	[sflag:s7] =	ssyncadd.s32 @!p0 $0xFFFFFFFF  }
0xb4: {  	s25 =	simm.s32 $0x1B8E;
	s24 =	sld [smem:$0x3FFE];
	[sflag:s6] =	ssyncadd.remote.s32 @!p0 $0x1  }
0xb5: {  	s26 =	simm.s32 $execute0_lowered;
	[smem:$0x3FD2] =	sst s25  }
0xb6: {  	s7 =	sshll.u32 s26, $0x1;
	_ =	strace $0x80000049;
	[dreg:$0x1] =	wrdreg $0xFFFFFFFF  }
0xb7: {  	s28 =	simm.s32 $_size_execute0_lowered;
	s5 =	sadd.s32 s5, s7;
	[dreg:$0x0] =	wrdreg $0x0  }
0xb8: {  	s7 =	sshll.u32 s28, $0x1;
	[dreg:$0x2] =	wrdreg s5  }
0xb9: {  	[dreg:$0x3] =	wrdreg s7  }
0xba: {  	[dreg:$0x4] =	wrdreg $0xC0  }
0xbb: {  	_ =	task [dreg:s22], $0x5FFFF  }
0xbc: {  	[dreg:$0x1] =	wrdreg $0xFFFFFFFF  }
0xbd: {  	[dreg:$0x0] =	wrdreg $0x60  }
0xbe: {  	[dreg:$0x2] =	wrdreg s18  }
0xbf: {  	[dreg:$0x3] =	wrdreg s4  }
0xc0: {  	[dreg:$0x4] =	wrdreg s24  }
0xc1: {  	[dreg:$0x5] =	wrdreg $0x9  }
0xc2: {  	_ =	task.clear_ibuf [dreg:s22], $0x6FFFF;
	_ =	strace $0x90000049  }
0xc3: {  	s29 =	simm.s32 $0x9;
	_ =	strace $0x8000004B  }
0xc4: {  	_ =	swait.ge [sflag:s29], $0x1  }
0xc5: {  	[sflag:s29] =	ssyncadd.s32 $0xFFFFFFFF  }
0xc6: {  	_ =	strace $0x9000004B  }
0xc7: {  	_ =	sfence  }
0xc8: {  	s30 =	sld [smem:$0x0];
	_ =	sdelay $0x2  }
0xc9: {  	s31 =	sshll.u32 s1, $0xD;
	s1 =	sshrl.u32 s1, $0x2  }
0xca: {  	s4 =	sand.u32 $0x4000, s31;
	s1 =	sadd.s32 s1, s30  }
0xcb: {  	s0 =	sor.u32 s4, s0;
	s1 =	sshll.u32 s1, $0x11  }
0xcc: {  	s0 =	sor.u32 s1, s0  }
0xcd: {  	s0 =	sadd.s32 $0x8F2B, s0  }
0xce: {  	[sflag:s0] =	ssyncadd.remote.s32 $0x1  }
0xcf: {  	_ =	sfence.sel $0xFFFF  }
0xd0: {  	[dreg:$0x0] =	wrdreg $0xFFFFFFFF;
	(pc) =	sbr.abs _section_cstart, $3  }
0xd1: {  	[dreg:$0x1] =	wrdreg $0xFFFFFFFF  }
0xd2: {  	_ =	task.clear_ibuf [dreg:s22], $0x2FFFF;
	_ =	strace $0x9FFFFFFF  }
0xd3: {  	(tm) =	ssettm $0x7FFFFFFF  }
tec
execute0_lowered:
.L_overlay_start_1:
0x0: {  	(tag) =	ssettag $0x1  }
0x1: {  	s1 =	srdreg.scid;
	s2 =	rddreg [dreg:$0x0]  }
0x2: {  	s0 =	stileid.u32;
	s3 =	rddreg [dreg:$0x1]  }
0x3: {  	s4 =	rddreg [dreg:$0x2];
	s6 =	simm.s32 $0x1;
	s1 =	sshll.u32 s1, $0x7  }
0x4: {  	s9 =	simm.s32 $0x1;
	s5 =	sshll.u32 s0, $0x8;
	s1 =	sand.u32 $0x80, s1  }
0x5: {  	s10 =	simm.s32 $0x3;
	s13 =	simm.s32 $0x0;
	s5 =	sor.u32 s5, s1  }
0x6: {  	s12 =	simm.s32 $0x0;
	s1 =	rddreg [dreg:$0x3];
	s8 =	ssub.s32 $0x2F00, s5  }
.Ltmp0:
0x7: {  	_ =	strace $0x8000004A;
	s7 =	sand.u32 $0xF80, s8;
	(pc) =	sbr.rel .LBB2_1-.Ltmp0, $4  }
0x8: {  	[sflag:s6] =	ssyncpa.u1 $0x0;
	s11 =	smov.u32 s5;
	p0 =	sne.s32 s7, $0x0  }
0x9: {  	s8 =	sshrl.u32 s8, $0xC;
	s7 =	simm.s32 $0x2;
	s9 =	simm.s32 @!p0 $0x0  }
0xa: {  	[sflag:s7] =	ssyncpa.u1 $0x0;
	p0 =	por $0x0, $0x0;
	s8 =	sadd.s32 s9, s8  }
0xb: {  	vm0 =	vmmov $0xffff;
	v0 =	vimm.s32 $0x0;
	v1 =	vlaneseq.u32;
	[sflag:s10] =	ssyncpa.u1 $0x0;
	s10 =	simm.s32 $0x0;
	s9 =	sadd.s32 $0x1, s8  }
.LBB2_4:
0xc: {  	_ =	sdelay $0x3  }
0xd: {  	[tilespmem:s21], [sflag:$0x1] =	stream.indirect_vreg.gather [hbm4b:s2+s10], $0x1, v2, vm0, $0x4038;
	[tilespmem:$0x500] =	vst v63  }
0xe: {  	s15 =	sadd.s32 s17, s15  }
0xf: {  	v2 =	vld.msk [tilespmem:s15+$0x0 ss:$0x1], $0xffff;
	_ =	sdelay $0x4  }
0x10: {  	v3 =	vshrl.u32 v2, $0x1  }
0x11: {  	v4 =	vand.u32 $0x1, v2;
	vm1 =	veq.s32 v2, $0x80000000;
	v2 =	vand.u32 $0x3FFFF, v3  }
0x12: {  	p1 =	sgt.s32 s18, $0x0;
	vm2 =	veq.s32 v4, $0x1;
	v2 =	vsel vm1, $0xFFFFFFFF, v2  }
0x13: {  	s18 =	simm.s32 @!p1 $0x0;
	v3 =	vsel vm2, $0xFFC00, v0;
	v61 =	vshll.u32 v2, $0x2  }
0x14: {  	s26 =	smin.u32 s18, $0x10;
	v3 =	vsel vm1, $0xFFF00400, v3;
	v4 =	vand.u32 $0xFFFFFE00, v61  }
0x15: {  	v62 =	vmov s26;
	v2 =	vand.u32 $0x7F, v2;
	v3 =	vadd.s32 v3, v4  }
0x16: {  	vm1 =	vgt.u32 v62, v1;
	v2 =	vor.u32 v2, v3  }
0x17: {  	v3 =	vnsel vm1, $0x7FFFFFFF, v2;
	_ =	sdelay $0x1  }
0x18: {  	v63 =	vor.u32 $0x80, v2  }
0x19: {  	(ifvalue) =	ssetifvalue $0x7FFFFFFF;
	v4 =	vnsel vm1, $0x7FFFFFFF, v63  }
0x1a: {  	s28 =	sadd.s32 s17, s16;
	(ifvalue) =	ssetifvalue $0x7FFFFFFF  }
0x1b: {  	v5 =	vor.u32 $0x100, v2;
	[tilespmem:s28], [sflag:$0x1] =	stream.indirect_vreg.gather [hbm4b:s2+s10], $0x1, v3, vm0, $0x4038;
	[tilespmem:$0x500] =	vst v63  }
0x1c: {  	(ifvalue) =	ssetifvalue $0x7FFFFFFF;
	v3 =	vnsel vm1, $0x7FFFFFFF, v5  }
0x1d: {  	s16 =	sadd.s32 $0x80, s28;
	(ifvalue) =	ssetifvalue $0x7FFFFFFF  }
0x1e: {  	v2 =	vor.u32 $0x180, v2;
	[tilespmem:s16], [sflag:$0x1] =	stream.indirect_vreg.gather [hbm4b:s2+s10], $0x1, v4, vm0, $0x4038;
	[tilespmem:$0x500] =	vst v63  }
0x1f: {  	v2 =	vnsel vm1, $0x7FFFFFFF, v2;
	(ifvalue) =	ssetifvalue $0x7FFFFFFF  }
0x20: {  	s29 =	sadd.s32 $0x100, s28;
	(ifvalue) =	ssetifvalue $0x7FFFFFFF  }
0x21: {  	[tilespmem:s29], [sflag:$0x1] =	stream.indirect_vreg.gather [hbm4b:s2+s10], $0x1, v3, vm0, $0x4038;
	[tilespmem:$0x500] =	vst v63  }
0x22: {  	(ifvalue) =	ssetifvalue $0x7FFFFFFF  }
0x23: {  	s30 =	sshll.u32 s13, $0x2;
	s15 =	sadd.s32 $0x180, s28;
	(ifvalue) =	ssetifvalue $0x7FFFFFFF  }
0x24: {  	[tilespmem:s15], [sflag:$0x1] =	stream.indirect_vreg.gather [hbm4b:s2+s10], $0x1, v2, vm0, $0x4038;
	[tilespmem:$0x500] =	vst v63  }
0x25: {  	s31 =	sand.u32 $0x78, s13;
	s15 =	sand.u32 $0xFFFFFE00, s30  }
0x26: {  	_ =	swait.ge [sflag:s6], $0x200;
	s13 =	sor.u32 s31, s15  }
0x27: {  	[sflag:s6] =	ssyncset.done $0x0;
	s13 =	sshrl.u32 s13, $0x3  }
0x28: {  	[sflag:s6] =	ssyncadd.s32 $0xFFFFFE00;
	s13 =	sadd.s32 s4, s13  }
0x29: {  	[hbm:s13] =	stream.linear.scatter [tilespmem:s14], [sflag:$0x3], $0x200, $0x38;
	[tilespmem:$0x500] =	vst v63  }
.LBB2_5:
0x2a: {  	s15 =	sadd.s32 $0x1000, s11  }
0x2b: {  	p2 =	sgt.s32 s15, $0x2EFF  }
0x2c: {  	s15 =	smov.u32 @p2 s5;
	p2 =	sne.s32 s12, s9  }
.Ltmp1:
0x2d: {  	p1 =	slt.u32 s12, $0x2;
	(pc) =	sbr.rel @!p2 .LBB2_6-.Ltmp1, $4  }
0x2e: {  	s14 =	simm.s32 @!p1 $0x3  }
0x2f: {  	s16 =	sadd.s32 $0x1, s12;
	_ =	swait.ge @!p1 [sflag:s14], $0x200  }
0x30: {  	s13 =	smov.u32 s11;
	p0 =	por !p0, !p0;
	[sflag:s14] =	ssyncset.done @!p1 $0x0  }
0x31: {  	s12 =	smov.u32 s16;
	s11 =	smov.u32 s15;
	[sflag:s14] =	ssyncadd.s32 @!p1 $0xFFFFFE00  }
.LBB2_1:
0x32: {  	p1 =	sge.u32 s12, s8  }
0x33: {  	s14 =	sxor.u32 @!p1 $0xFFFFFFFF, s12  }
0x34: {  	s31 =	sadd.s32 $0xFFFFFFFF, s12;
	s15 =	sshrl.u32 @!p1 s11, $0x3;
	s14 =	sshll.u32 @!p1 s14, $0x7  }
0x35: {  	s16 =	sand.u32 @!p1 $0x7, s11;
	s15 =	sadd.s32 @!p1 s3, s15;
	s14 =	sand.u32 @!p1 $0x80, s14  }
0x36: {  	[tilespmem:s14], [sflag:$0x2] =	stream.linear.gather @!p1 [hbm4b:s15+s16], $0x80, $0x38;
	[tilespmem:$0x500] =	vst v63  }
0x37: {  	p1 =	sge.u32 s31, s8  }
.Ltmp2:
0x38: {  	_ = 	snop;
	(pc) =	sbr.rel @p1 .LBB2_5-.Ltmp2, $1  }
0x39: {  	_ =	sdelay $0x3  }
0x3a: {  	s14 =	simm.s32 $0x1  }
0x3b: {  	_ =	swait.ge [sflag:s7], $0x80;
	s14 =	simm.s32 @!p0 $0x0  }
0x3c: {  	[sflag:s7] =	ssyncset.done $0x0;
	s15 =	sshll.u32 s14, $0x7  }
0x3d: {  	[sflag:s7] =	ssyncadd.s32 $0xFFFFFF80;
	s16 =	sadd.s32 $0x0, s15  }
0x3e: {  	v2 =	vld.msk [tilespmem:s16+$0x0 ss:$0x1], $0xffff;
	_ =	sdelay $0x3  }
0x3f: {  	s18 =	ssub.s32 $0x2EE0, s13  }
0x40: {  	p1 =	slt.s32 s18, $0x80;
	v3 =	vshrl.u32 v2, $0x1  }
0x41: {  	s18 =	simm.s32 @!p1 $0x80;
	v4 =	vand.u32 $0x1, v2;
	vm1 =	veq.s32 v2, $0x80000000;
	v2 =	vand.u32 $0x3FFFF, v3  }
0x42: {  	p1 =	sgt.s32 s18, $0x0;
	s16 =	smov.u32 s18;
	vm2 =	veq.s32 v4, $0x1;
	v2 =	vsel vm1, $0xFFFFFFFF, v2  }
0x43: {  	s16 =	simm.s32 @!p1 $0x0;
	v3 =	vsel vm2, $0xFFC00, v0;
	v61 =	vshll.u32 v2, $0x2  }
0x44: {  	s16 =	smin.u32 s16, $0x10;
	v3 =	vsel vm1, $0xFFF00400, v3;
	v4 =	vand.u32 $0xFFFFFE00, v61  }
0x45: {  	v62 =	vmov s16;
	v2 =	vand.u32 $0x7F, v2;
	v3 =	vadd.s32 v3, v4  }
0x46: {  	vm1 =	vgt.u32 v62, v1;
	v2 =	vor.u32 v2, v3  }
0x47: {  	v3 =	vnsel vm1, $0x7FFFFFFF, v2;
	_ =	sdelay $0x1  }
0x48: {  	s14 =	sshll.u32 s14, $0x9;
	v63 =	vor.u32 $0x80, v2  }
0x49: {  	(ifvalue) =	ssetifvalue $0x7FFFFFFF;
	s16 =	sor.u32 $0x100, s14;
	v4 =	vnsel vm1, $0x7FFFFFFF, v63  }
0x4a: {  	(ifvalue) =	ssetifvalue $0x7FFFFFFF;
	s19 =	sadd.s32 $0x0, s16  }
0x4b: {  	v5 =	vor.u32 $0x100, v2;
	[tilespmem:s19], [sflag:$0x1] =	stream.indirect_vreg.gather [hbm4b:s2+s10], $0x1, v3, vm0, $0x4038;
	[tilespmem:$0x500] =	vst v63  }
0x4c: {  	(ifvalue) =	ssetifvalue $0x7FFFFFFF;
	v3 =	vnsel vm1, $0x7FFFFFFF, v5  }
0x4d: {  	s17 =	sadd.s32 $0x80, s19;
	(ifvalue) =	ssetifvalue $0x7FFFFFFF  }
0x4e: {  	v2 =	vor.u32 $0x180, v2;
	[tilespmem:s17], [sflag:$0x1] =	stream.indirect_vreg.gather [hbm4b:s2+s10], $0x1, v4, vm0, $0x4038;
	[tilespmem:$0x500] =	vst v63  }
0x4f: {  	s30 =	sshll.u32 s12, $0x9;
	s20 =	simm.s32 $0x80;
	v2 =	vnsel vm1, $0x7FFFFFFF, v2;
	(ifvalue) =	ssetifvalue $0x7FFFFFFF  }
0x50: {  	s14 =	sand.u32 $0x200, s30;
	s31 =	sadd.s32 $0x100, s19;
	(ifvalue) =	ssetifvalue $0x7FFFFFFF  }
0x51: {  	[tilespmem:s31], [sflag:$0x1] =	stream.indirect_vreg.gather [hbm4b:s2+s10], $0x1, v3, vm0, $0x4038;
	[tilespmem:$0x500] =	vst v63  }
0x52: {  	s18 =	sadd.s32 $0xFFFFFFF0, s18;
	s14 =	sor.u32 $0x100, s14;
	(ifvalue) =	ssetifvalue $0x7FFFFFFF  }
0x53: {  	s21 =	sadd.s32 $0x180, s19;
	s17 =	simm.s32 $0x10;
	(ifvalue) =	ssetifvalue $0x7FFFFFFF  }
.LBB2_3:
0x54: {  	[tilespmem:s21], [sflag:$0x1] =	stream.indirect_vreg.gather [hbm4b:s2+s10], $0x1, v2, vm0, $0x4038;
	[tilespmem:$0x500] =	vst v63  }
0x55: {  	s19 =	smov.u32 s20  }
0x56: {  	s22 =	sadd.s32 s17, s15;
	s21 =	sshra.s32 s19, $0x2;
	s19 =	sadd.s32 $0x40, s20  }
0x57: {  	p1 =	sne.s32 s20, $0x1C0;
	v2 =	vld.msk [tilespmem:s22+$0x0 ss:$0x1], $0xffff  }
0x58: {  	(ifvalue) =	ssetifvalue $0x7FFFFFFF;
	_ =	sdelay $0x4  }
0x59: {  	v3 =	vshrl.u32 v2, $0x1;
	v4 =	vand.u32 $0x1, v2  }
0x5a: {  	vm1 =	veq.s32 v2, $0x80000000;
	v2 =	vand.u32 $0x3FFFF, v3;
	vm2 =	veq.s32 v4, $0x1  }
0x5b: {  	p2 =	sgt.s32 s18, $0x0;
	s20 =	smov.u32 s18;
	v2 =	vsel vm1, $0xFFFFFFFF, v2;
	v3 =	vsel vm2, $0xFFC00, v0  }
0x5c: {  	s20 =	simm.s32 @!p2 $0x0;
	v3 =	vsel vm1, $0xFFF00400, v3;
	v4 =	vshll.u32 v2, $0x2  }
0x5d: {  	s20 =	smin.u32 s20, $0x10;
	v4 =	vand.u32 $0xFFFFFE00, v4  }
0x5e: {  	v2 =	vand.u32 $0x7F, v2;
	v3 =	vadd.s32 v3, v4;
	v4 =	vmov s20  }
0x5f: {  	v2 =	vor.u32 v2, v3;
	vm1 =	vgt.u32 v4, v1  }
0x60: {  	v3 =	vnsel vm1, $0x7FFFFFFF, v2;
	v4 =	vor.u32 $0x80, v2;
	v5 =	vor.u32 $0x100, v2  }
0x61: {  	v2 =	vor.u32 $0x180, v2;
	_ =	sdelay $0x1  }
0x62: {  	v4 =	vnsel vm1, $0x7FFFFFFF, v4  }
0x63: {  	s20 =	sadd.s32 s17, s16;
	s17 =	smov.u32 s21;
	(ifvalue) =	ssetifvalue $0x7FFFFFFF  }
0x64: {  	[tilespmem:s20], [sflag:$0x1] =	stream.indirect_vreg.gather [hbm4b:s2+s10], $0x1, v3, vm0, $0x4038;
	[tilespmem:$0x500] =	vst v63  }
0x65: {  	v3 =	vnsel vm1, $0x7FFFFFFF, v5;
	(ifvalue) =	ssetifvalue $0x7FFFFFFF  }
0x66: {  	s21 =	sadd.s32 $0x80, s20;
	(ifvalue) =	ssetifvalue $0x7FFFFFFF  }
0x67: {  	[tilespmem:s21], [sflag:$0x1] =	stream.indirect_vreg.gather [hbm4b:s2+s10], $0x1, v4, vm0, $0x4038;
	[tilespmem:$0x500] =	vst v63  }
.Ltmp3:
0x68: {  	v2 =	vnsel vm1, $0x7FFFFFFF, v2;
	(ifvalue) =	ssetifvalue $0x7FFFFFFF;
	(pc) =	sbr.rel @p1 .LBB2_3-.Ltmp3, $4  }
0x69: {  	s21 =	sadd.s32 $0x100, s20;
	(ifvalue) =	ssetifvalue $0x7FFFFFFF  }
0x6a: {  	[tilespmem:s21], [sflag:$0x1] =	stream.indirect_vreg.gather [hbm4b:s2+s10], $0x1, v3, vm0, $0x4038;
	[tilespmem:$0x500] =	vst v63  }
0x6b: {  	s18 =	sadd.s32 $0xFFFFFFF0, s18;
	(ifvalue) =	ssetifvalue $0x7FFFFFFF  }
0x6c: {  	s21 =	sadd.s32 $0x180, s20;
	s20 =	smov.u32 s19;
	(ifvalue) =	ssetifvalue $0x7FFFFFFF  }
.Ltmp4:
0x6d: {  	_ = 	snop;
	(pc) =	sbr.rel .LBB2_4-.Ltmp4, $1  }
0x6e: {  	_ =	sdelay $0x3  }
.LBB2_6:
0x6f: {  	_ =	sfence.sel $0x180000  }
0x70: {  	s2 =	simm.s32 $0x2;
	[bflag:$0x0] =	sbarrier.arrive $0xFFFF  }
0x71: {  	s30 =	simm.s32 $0x3;
	[sflag:s2] =	ssyncpa.u1 $0x1  }
0x72: {  	s31 =	simm.s32 $0x1;
	[sflag:s30] =	ssyncpa.u1 $0x1  }
0x73: {  	[sflag:s31] =	ssyncpa.u1 $0x1  }
0x74: {  	p0 =	sne.s32 s0, $0x0;
	_ =	strace $0x9000004A  }
0x75: {  	s0 =	sadd.s32 @!p0 $0x100000, s1;
	[bflag:$0x2] =	sbarrier.arrive $0xFFFF  }
0x76: {  	[sflag:s0] =	ssyncadd.tile.s32 @!p0 $0x1;
	_ =	shalt  }
.Lfunc_end2:
_tile_overlayer_lowered:
.L_overlay_start_2:
0x77: {  	(tag) =	ssettag $0x2  }
0x78: {  	s0 =	rddreg [dreg:$0x0];
	s2 =	stileid.u32  }
0x79: {  	s1 =	rddreg [dreg:$0x1];
	p0 =	sne.s32 s2, $0x0  }
0x7a: {  	s3 =	rddreg [dreg:$0x2];
	[bflag:$0x3] =	sbarrier.arrive $0xFFFF;
	s2 =	simm.s32 @!p0 $0x1C01  }
0x7b: {  	[timem:s3], [sflag:s2] =	dma.local @!p0 [hbm:s0], s1  }
0x7c: {  	s0 =	simm.s32 @!p0 $0x1  }
0x7d: {  	_ =	swait.ge @!p0 [sflag:s0], s1  }
0x7e: {  	s1 =	ssub.s32 @!p0 $0x0, s1;
	[sflag:s0] =	ssyncset.done @!p0 $0x0  }
0x7f: {  	[sflag:s0] =	ssyncadd.s32 @!p0 s1  }
0x80: {  	[bflag:$0x3] =	sbarrier.arrive $0xFFFF  }
0x81: {  	_ =	shalt  }

</sc_bundles>
